<compile_context>
chip_gen: v7x
topology: tpu7x:2x2x1
jax: 0.10.2.dev20260603
libtpu: 0.0.44.dev20260713+nightly
codegen_flags: <defaults>
</compile_context>

<pallas_src>
import functools

import jax
import jax.numpy as jnp
from jax import lax
from jax.experimental import pallas as pl
from jax.experimental.pallas import tpu as pltpu
from jax.experimental.pallas import tpu_sc as plsc

NW = 32
CHUNK = 128
NBUF = 5
PF = 3


def _wait(src, dst, sem):
    pltpu.make_async_copy(src, dst, sem).wait()


@functools.lru_cache(maxsize=None)
def _build(n_chunk, n_rows, d):
    mesh = plsc.VectorSubcoreMesh(core_axis_name="c", subcore_axis_name="s")
    n_blk = n_chunk // NBUF

    @functools.partial(
        pl.kernel,
        mesh=mesh,
        out_type=jax.ShapeDtypeStruct((NW * n_chunk * CHUNK, d), jnp.float32),
        scratch_types=[
            pltpu.VMEM((n_chunk * CHUNK,), jnp.int32),
            pltpu.VMEM((NBUF, CHUNK, d), jnp.float32),
            pltpu.SemaphoreType.DMA((NBUF,)),
            pltpu.SemaphoreType.DMA((NBUF,)),
        ],
        compiler_params=pltpu.CompilerParams(use_tc_tiling_on_sc=True),
    )
    def emb(ids_hbm, table_hbm, out_hbm, idx_v, rows_v, gsem, ssem):
        wid = lax.axis_index("s") * 2 + lax.axis_index("c")
        base = wid * (n_chunk * CHUNK)
        pltpu.sync_copy(ids_hbm.at[pl.ds(base, n_chunk * CHUNK)], idx_v)

        def gather(j, b):
            pltpu.async_copy(
                table_hbm.at[idx_v.at[pl.ds(j * CHUNK, CHUNK)]],
                rows_v.at[b],
                gsem.at[b],
            )

        def wait_gather(b):
            _wait(table_hbm.at[pl.ds(0, CHUNK)], rows_v.at[b], gsem.at[b])

        def store(j, b):
            pltpu.async_copy(
                rows_v.at[b], out_hbm.at[pl.ds(base + j * CHUNK, CHUNK)], ssem.at[b]
            )

        def wait_store(b):
            _wait(rows_v.at[b], out_hbm.at[pl.ds(base, CHUNK)], ssem.at[b])

        for j in range(PF):
            gather(j, j)

        for b in range(NBUF):
            wait_gather(b)
            store(b, b)
            bn = (b + PF) % NBUF
            if b + PF < NBUF:
                gather(b + PF, bn)
            else:
                wait_store(bn)
                gather(b + PF, bn)

        def body(g, carry):
            j0 = g * NBUF
            for b in range(NBUF):
                wait_gather(b)
                store(j0 + b, b)
                bn = (b + PF) % NBUF
                wait_store(bn)
                gather(j0 + b + PF, bn)
            return carry

        lax.fori_loop(1, n_blk - 1, body, 0)

        j0 = (n_blk - 1) * NBUF
        for b in range(NBUF):
            wait_gather(b)
            store(j0 + b, b)
            if b + PF < NBUF:
                bn = (b + PF) % NBUF
                wait_store(bn)
                gather(j0 + b + PF, bn)
        for b in range(NBUF):
            wait_store(b)

    return emb


def kernel(token_ids, weight):
    b, s = token_ids.shape
    total = b * s
    n_chunk = total // (NW * CHUNK)
    d = weight.shape[1]
    ids = token_ids.T.reshape(total).astype(jnp.int32)
    out = _build(n_chunk, weight.shape[0], d)(ids, weight)
    return out.reshape(s, b, d).transpose(1, 0, 2)

# --- scband reference (transcript-rebuilt; emitter-appended) ---
"""Pipeline reference for scband-embedding-21311627723071 (READ-ONLY COPY).

The authoritative reference and input builder live on the scoring server;
editing this copy changes nothing except your own understanding.
"""

import jax, jax.numpy as jnp
import numpy as np

NUM_EMBEDDINGS = 100000
EMBEDDING_DIM = 128


def _trunc_normal(key, shape, mean=0.0, std=1.0, lower=-3.0, upper=3.0, dtype=jnp.float32):
    u = jax.random.truncated_normal(key, lower, upper, shape, dtype=dtype)
    return u * std + mean


def setup_inputs(seed: int = 0) -> dict:
    key = jax.random.key(seed)
    k_idx, k_w = jax.random.split(key)
    token_ids = jax.random.randint(k_idx, (4096, 50), 0, NUM_EMBEDDINGS, dtype=jnp.int64 if jax.config.jax_enable_x64 else jnp.int32)
    weight = _trunc_normal(k_w, (NUM_EMBEDDINGS, EMBEDDING_DIM))
    return {"token_ids": token_ids, "weight": weight}


def reference(token_ids, weight):
    # Faithful translation of: return self.weight[token_ids]
    return jnp.take(weight, token_ids, axis=0)

if __name__ == "__main__":
    import jax
    _d = setup_inputs()
    print(jax.jit(kernel)(*tuple(_d.values())))

</pallas_src>

<mosaic_0001>
#map = affine_map<(d0, d1) -> (0)>
#map1 = affine_map<(d0, d1) -> (0, 0)>
module attributes {stable_mosaic.version = 14 : i64} {
  func.func @emb(%arg0: i32, %arg1: i32, %arg2: memref<204800xi32, #tpu.memory_space<hbm>>, %arg3: memref<100000x128xf32, #tpu.memory_space<hbm>>, %arg4: memref<204800x128xf32, #tpu.memory_space<hbm>>, %arg5: memref<6400xi32, #tpu.memory_space<vmem>>, %arg6: memref<5x128x128xf32, #tpu.memory_space<vmem>>, %arg7: memref<5x!tpu.dma_semaphore, #tpu.memory_space<semaphore_mem>>, %arg8: memref<5x!tpu.dma_semaphore, #tpu.memory_space<semaphore_mem>>) attributes {dimension_semantics = [#tpu.dimension_semantics<core_parallel>, #tpu.dimension_semantics<subcore_parallel>], iteration_bounds = array<i64: 2, 16>, scalar_prefetch = 0 : i64, scratch_operands = 4 : i64, tpu.core_type = #tpu.core_type<sc_vector_subcore>, window_params = [{transform_indices = #map}, {transform_indices = #map1}, {transform_indices = #map1}]} {
    %mul3A = arith.constant 2 : i32
    %mul3A_0 = arith.muli %arg1, %mul3A : i32
    %add3A = arith.addi %mul3A_0, %arg0 : i32
    %mul3A_1 = arith.constant 6400 : i32
    %mul3A_2 = arith.muli %add3A, %mul3A_1 : i32
    "tpu.region"() ({
      %run_scoped3A = tpu.sem_alloc : memref<!tpu.dma_semaphore, #tpu.memory_space<semaphore_mem>>
      %dma_start3A_656 = tpu.memref_slice %arg2[%mul3A_2] : memref<204800xi32, #tpu.memory_space<hbm>> -> memref<6400xi32, #tpu.memory_space<hbm>>
      %dma_start3A_657 = tpu.memref_slice %arg2[%mul3A_2] : memref<204800xi32, #tpu.memory_space<hbm>> -> memref<6400xi32, #tpu.memory_space<hbm>>
      tpu.enqueue_dma source(%dma_start3A_657 : memref<6400xi32, #tpu.memory_space<hbm>>) target(%arg5 : memref<6400xi32, #tpu.memory_space<vmem>>) target_semaphore(%run_scoped3A : memref<!tpu.dma_semaphore, #tpu.memory_space<semaphore_mem>>)
      %dma_wait3A_658 = tpu.memref_slice %arg2[%mul3A_2] : memref<204800xi32, #tpu.memory_space<hbm>> -> memref<6400xi32, #tpu.memory_space<hbm>>
      %dma_wait3A_659 = tpu.memref_slice %arg2[%mul3A_2] : memref<204800xi32, #tpu.memory_space<hbm>> -> memref<6400xi32, #tpu.memory_space<hbm>>
      tpu.wait_dma2 semaphore(%run_scoped3A : memref<!tpu.dma_semaphore, #tpu.memory_space<semaphore_mem>>) src(%dma_wait3A_659 : memref<6400xi32, #tpu.memory_space<hbm>>) dst(%arg5 : memref<6400xi32, #tpu.memory_space<vmem>>)
      tpu.yield
    }) : () -> ()
    %dma_start3A = arith.constant 0 : i32
    %dma_start3A_3 = arith.constant 0 : i32
    %dma_start3A_4 = arith.constant 0 : i32
    %dma_start3A_5 = arith.constant 0 : i32
    %dma_start3A_6 = tpu.memref_slice %arg6[%dma_start3A, %dma_start3A_4, %dma_start3A_5] : memref<5x128x128xf32, #tpu.memory_space<vmem>> -> memref<1x128x128xf32, #tpu.memory_space<vmem>>
    %dma_start3A_7 = tpu.memref_squeeze %dma_start3A_6 : memref<1x128x128xf32, #tpu.memory_space<vmem>> -> memref<128x128xf32, #tpu.memory_space<vmem>>
    %dma_start3A_8 = arith.constant 0 : i32
    %dma_start3A_9 = tpu.memref_slice %arg5[%dma_start3A_8] : memref<6400xi32, #tpu.memory_space<vmem>> -> memref<128xi32, #tpu.memory_space<vmem>>
    %dma_start3A_10 = arith.constant 0 : i32
    %dma_start3A_11 = arith.constant 0 : i32
    %dma_start3A_12 = tpu.memref_slice %arg3[%dma_start3A_10, %dma_start3A_11] : memref<100000x128xf32, #tpu.memory_space<hbm>> -> memref<100000x128xf32, #tpu.memory_space<hbm>>
    %dma_start3A_13 = tpu.memref_slice %arg7[%dma_start3A_3] : memref<5x!tpu.dma_semaphore, #tpu.memory_space<semaphore_mem>> -> memref<1x!tpu.dma_semaphore, #tpu.memory_space<semaphore_mem>>
    %dma_start3A_14 = tpu.memref_squeeze %dma_start3A_13 : memref<1x!tpu.dma_semaphore, #tpu.memory_space<semaphore_mem>> -> memref<!tpu.dma_semaphore, #tpu.memory_space<semaphore_mem>>
    tpu.enqueue_indirect_dma source(%dma_start3A_12 : memref<100000x128xf32, #tpu.memory_space<hbm>>) target(%dma_start3A_7 : memref<128x128xf32, #tpu.memory_space<vmem>>) offsets(%dma_start3A_9 : memref<128xi32, #tpu.memory_space<vmem>>) semaphore(%dma_start3A_14 : memref<!tpu.dma_semaphore, #tpu.memory_space<semaphore_mem>>)
    %dma_start3A_15 = arith.constant 1 : i32
    %dma_start3A_16 = arith.constant 1 : i32
    %dma_start3A_17 = arith.constant 0 : i32
    %dma_start3A_18 = arith.constant 0 : i32
    %dma_start3A_19 = tpu.memref_slice %arg6[%dma_start3A_15, %dma_start3A_17, %dma_start3A_18] : memref<5x128x128xf32, #tpu.memory_space<vmem>> -> memref<1x128x128xf32, #tpu.memory_space<vmem>>
    %dma_start3A_20 = tpu.memref_squeeze %dma_start3A_19 : memref<1x128x128xf32, #tpu.memory_space<vmem>> -> memref<128x128xf32, #tpu.memory_space<vmem>>
    %dma_start3A_21 = arith.constant 128 : i32
    %dma_start3A_22 = tpu.memref_slice %arg5[%dma_start3A_21] : memref<6400xi32, #tpu.memory_space<vmem>> -> memref<128xi32, #tpu.memory_space<vmem>>
    %dma_start3A_23 = arith.constant 0 : i32
    %dma_start3A_24 = arith.constant 0 : i32
    %dma_start3A_25 = tpu.memref_slice %arg3[%dma_start3A_23, %dma_start3A_24] : memref<100000x128xf32, #tpu.memory_space<hbm>> -> memref<100000x128xf32, #tpu.memory_space<hbm>>
    %dma_start3A_26 = tpu.memref_slice %arg7[%dma_start3A_16] : memref<5x!tpu.dma_semaphore, #tpu.memory_space<semaphore_mem>> -> memref<1x!tpu.dma_semaphore, #tpu.memory_space<semaphore_mem>>
    %dma_start3A_27 = tpu.memref_squeeze %dma_start3A_26 : memref<1x!tpu.dma_semaphore, #tpu.memory_space<semaphore_mem>> -> memref<!tpu.dma_semaphore, #tpu.memory_space<semaphore_mem>>
    tpu.enqueue_indirect_dma source(%dma_start3A_25 : memref<100000x128xf32, #tpu.memory_space<hbm>>) target(%dma_start3A_20 : memref<128x128xf32, #tpu.memory_space<vmem>>) offsets(%dma_start3A_22 : memref<128xi32, #tpu.memory_space<vmem>>) semaphore(%dma_start3A_27 : memref<!tpu.dma_semaphore, #tpu.memory_space<semaphore_mem>>)
    %dma_start3A_28 = arith.constant 2 : i32
    %dma_start3A_29 = arith.constant 2 : i32
    %dma_start3A_30 = arith.constant 0 : i32
    %dma_start3A_31 = arith.constant 0 : i32
    %dma_start3A_32 = tpu.memref_slice %arg6[%dma_start3A_28, %dma_start3A_30, %dma_start3A_31] : memref<5x128x128xf32, #tpu.memory_space<vmem>> -> memref<1x128x128xf32, #tpu.memory_space<vmem>>
    %dma_start3A_33 = tpu.memref_squeeze %dma_start3A_32 : memref<1x128x128xf32, #tpu.memory_space<vmem>> -> memref<128x128xf32, #tpu.memory_space<vmem>>
    %dma_start3A_34 = arith.constant 256 : i32
    %dma_start3A_35 = tpu.memref_slice %arg5[%dma_start3A_34] : memref<6400xi32, #tpu.memory_space<vmem>> -> memref<128xi32, #tpu.memory_space<vmem>>
    %dma_start3A_36 = arith.constant 0 : i32
    %dma_start3A_37 = arith.constant 0 : i32
    %dma_start3A_38 = tpu.memref_slice %arg3[%dma_start3A_36, %dma_start3A_37] : memref<100000x128xf32, #tpu.memory_space<hbm>> -> memref<100000x128xf32, #tpu.memory_space<hbm>>
    %dma_start3A_39 = tpu.memref_slice %arg7[%dma_start3A_29] : memref<5x!tpu.dma_semaphore, #tpu.memory_space<semaphore_mem>> -> memref<1x!tpu.dma_semaphore, #tpu.memory_space<semaphore_mem>>
    %dma_start3A_40 = tpu.memref_squeeze %dma_start3A_39 : memref<1x!tpu.dma_semaphore, #tpu.memory_space<semaphore_mem>> -> memref<!tpu.dma_semaphore, #tpu.memory_space<semaphore_mem>>
    tpu.enqueue_indirect_dma source(%dma_start3A_38 : memref<100000x128xf32, #tpu.memory_space<hbm>>) target(%dma_start3A_33 : memref<128x128xf32, #tpu.memory_space<vmem>>) offsets(%dma_start3A_35 : memref<128xi32, #tpu.memory_space<vmem>>) semaphore(%dma_start3A_40 : memref<!tpu.dma_semaphore, #tpu.memory_space<semaphore_mem>>)
    %dma_wait3A = arith.constant 0 : i32
    %dma_wait3A_41 = arith.constant 0 : i32
    %dma_wait3A_42 = arith.constant 0 : i32
    %dma_wait3A_43 = arith.constant 0 : i32
    %dma_wait3A_44 = tpu.memref_slice %arg6[%dma_wait3A, %dma_wait3A_42, %dma_wait3A_43] : memref<5x128x128xf32, #tpu.memory_space<vmem>> -> memref<1x128x128xf32, #tpu.memory_space<vmem>>
    %dma_wait3A_45 = tpu.memref_squeeze %dma_wait3A_44 : memref<1x128x128xf32, #tpu.memory_space<vmem>> -> memref<128x128xf32, #tpu.memory_space<vmem>>
    %dma_wait3A_46 = arith.constant 0 : i32
    %dma_wait3A_47 = arith.constant 0 : i32
    %dma_wait3A_48 = tpu.memref_slice %arg3[%dma_wait3A_46, %dma_wait3A_47] : memref<100000x128xf32, #tpu.memory_space<hbm>> -> memref<128x128xf32, #tpu.memory_space<hbm>>
    %dma_wait3A_49 = tpu.memref_slice %arg7[%dma_wait3A_41] : memref<5x!tpu.dma_semaphore, #tpu.memory_space<semaphore_mem>> -> memref<1x!tpu.dma_semaphore, #tpu.memory_space<semaphore_mem>>
    %dma_wait3A_50 = tpu.memref_squeeze %dma_wait3A_49 : memref<1x!tpu.dma_semaphore, #tpu.memory_space<semaphore_mem>> -> memref<!tpu.dma_semaphore, #tpu.memory_space<semaphore_mem>>
    %dma_wait3A_51 = arith.constant 0 : i32
    %dma_wait3A_52 = arith.constant 0 : i32
    %dma_wait3A_53 = tpu.memref_slice %arg6[%dma_wait3A, %dma_wait3A_51, %dma_wait3A_52] : memref<5x128x128xf32, #tpu.memory_space<vmem>> -> memref<1x128x128xf32, #tpu.memory_space<vmem>>
    %dma_wait3A_54 = tpu.memref_squeeze %dma_wait3A_53 : memref<1x128x128xf32, #tpu.memory_space<vmem>> -> memref<128x128xf32, #tpu.memory_space<vmem>>
    %dma_wait3A_55 = arith.constant 0 : i32
    %dma_wait3A_56 = arith.constant 0 : i32
    %dma_wait3A_57 = tpu.memref_slice %arg3[%dma_wait3A_55, %dma_wait3A_56] : memref<100000x128xf32, #tpu.memory_space<hbm>> -> memref<128x128xf32, #tpu.memory_space<hbm>>
    tpu.wait_dma2 semaphore(%dma_wait3A_50 : memref<!tpu.dma_semaphore, #tpu.memory_space<semaphore_mem>>) src(%dma_wait3A_57 : memref<128x128xf32, #tpu.memory_space<hbm>>) dst(%dma_wait3A_54 : memref<128x128xf32, #tpu.memory_space<vmem>>)
    %add3A_58 = arith.constant 0 : i32
    %add3A_59 = arith.addi %mul3A_2, %add3A_58 : i32
    %dma_start3A_60 = arith.constant 0 : i32
    %dma_start3A_61 = arith.constant 0 : i32
    %dma_start3A_62 = arith.constant 0 : i32
    %dma_start3A_63 = arith.constant 0 : i32
    %dma_start3A_64 = tpu.memref_slice %arg6[%dma_start3A_60, %dma_start3A_62, %dma_start3A_63] : memref<5x128x128xf32, #tpu.memory_space<vmem>> -> memref<1x128x128xf32, #tpu.memory_space<vmem>>
    %dma_start3A_65 = tpu.memref_squeeze %dma_start3A_64 : memref<1x128x128xf32, #tpu.memory_space<vmem>> -> memref<128x128xf32, #tpu.memory_space<vmem>>
    %dma_start3A_66 = arith.constant 0 : i32
    %dma_start3A_67 = tpu.memref_slice %arg4[%add3A_59, %dma_start3A_66] : memref<204800x128xf32, #tpu.memory_space<hbm>> -> memref<128x128xf32, #tpu.memory_space<hbm>>
    %dma_start3A_68 = tpu.memref_slice %arg8[%dma_start3A_61] : memref<5x!tpu.dma_semaphore, #tpu.memory_space<semaphore_mem>> -> memref<1x!tpu.dma_semaphore, #tpu.memory_space<semaphore_mem>>
    %dma_start3A_69 = tpu.memref_squeeze %dma_start3A_68 : memref<1x!tpu.dma_semaphore, #tpu.memory_space<semaphore_mem>> -> memref<!tpu.dma_semaphore, #tpu.memory_space<semaphore_mem>>
    %dma_start3A_70 = arith.constant 0 : i32
    %dma_start3A_71 = tpu.memref_slice %arg4[%add3A_59, %dma_start3A_70] : memref<204800x128xf32, #tpu.memory_space<hbm>> -> memref<128x128xf32, #tpu.memory_space<hbm>>
    %dma_start3A_72 = arith.constant 0 : i32
    %dma_start3A_73 = arith.constant 0 : i32
    %dma_start3A_74 = tpu.memref_slice %arg6[%dma_start3A_60, %dma_start3A_72, %dma_start3A_73] : memref<5x128x128xf32, #tpu.memory_space<vmem>> -> memref<1x128x128xf32, #tpu.memory_space<vmem>>
    %dma_start3A_75 = tpu.memref_squeeze %dma_start3A_74 : memref<1x128x128xf32, #tpu.memory_space<vmem>> -> memref<128x128xf32, #tpu.memory_space<vmem>>
    tpu.enqueue_dma source(%dma_start3A_75 : memref<128x128xf32, #tpu.memory_space<vmem>>) target(%dma_start3A_71 : memref<128x128xf32, #tpu.memory_space<hbm>>) target_semaphore(%dma_start3A_69 : memref<!tpu.dma_semaphore, #tpu.memory_space<semaphore_mem>>)
    %dma_start3A_76 = arith.constant 3 : i32
    %dma_start3A_77 = arith.constant 3 : i32
    %dma_start3A_78 = arith.constant 0 : i32
    %dma_start3A_79 = arith.constant 0 : i32
    %dma_start3A_80 = tpu.memref_slice %arg6[%dma_start3A_76, %dma_start3A_78, %dma_start3A_79] : memref<5x128x128xf32, #tpu.memory_space<vmem>> -> memref<1x128x128xf32, #tpu.memory_space<vmem>>
    %dma_start3A_81 = tpu.memref_squeeze %dma_start3A_80 : memref<1x128x128xf32, #tpu.memory_space<vmem>> -> memref<128x128xf32, #tpu.memory_space<vmem>>
    %dma_start3A_82 = arith.constant 384 : i32
    %dma_start3A_83 = tpu.memref_slice %arg5[%dma_start3A_82] : memref<6400xi32, #tpu.memory_space<vmem>> -> memref<128xi32, #tpu.memory_space<vmem>>
    %dma_start3A_84 = arith.constant 0 : i32
    %dma_start3A_85 = arith.constant 0 : i32
    %dma_start3A_86 = tpu.memref_slice %arg3[%dma_start3A_84, %dma_start3A_85] : memref<100000x128xf32, #tpu.memory_space<hbm>> -> memref<100000x128xf32, #tpu.memory_space<hbm>>
    %dma_start3A_87 = tpu.memref_slice %arg7[%dma_start3A_77] : memref<5x!tpu.dma_semaphore, #tpu.memory_space<semaphore_mem>> -> memref<1x!tpu.dma_semaphore, #tpu.memory_space<semaphore_mem>>
    %dma_start3A_88 = tpu.memref_squeeze %dma_start3A_87 : memref<1x!tpu.dma_semaphore, #tpu.memory_space<semaphore_mem>> -> memref<!tpu.dma_semaphore, #tpu.memory_space<semaphore_mem>>
    tpu.enqueue_indirect_dma source(%dma_start3A_86 : memref<100000x128xf32, #tpu.memory_space<hbm>>) target(%dma_start3A_81 : memref<128x128xf32, #tpu.memory_space<vmem>>) offsets(%dma_start3A_83 : memref<128xi32, #tpu.memory_space<vmem>>) semaphore(%dma_start3A_88 : memref<!tpu.dma_semaphore, #tpu.memory_space<semaphore_mem>>)
    %dma_wait3A_89 = arith.constant 1 : i32
    %dma_wait3A_90 = arith.constant 1 : i32
    %dma_wait3A_91 = arith.constant 0 : i32
    %dma_wait3A_92 = arith.constant 0 : i32
    %dma_wait3A_93 = tpu.memref_slice %arg6[%dma_wait3A_89, %dma_wait3A_91, %dma_wait3A_92] : memref<5x128x128xf32, #tpu.memory_space<vmem>> -> memref<1x128x128xf32, #tpu.memory_space<vmem>>
    %dma_wait3A_94 = tpu.memref_squeeze %dma_wait3A_93 : memref<1x128x128xf32, #tpu.memory_space<vmem>> -> memref<128x128xf32, #tpu.memory_space<vmem>>
    %dma_wait3A_95 = arith.constant 0 : i32
    %dma_wait3A_96 = arith.constant 0 : i32
    %dma_wait3A_97 = tpu.memref_slice %arg3[%dma_wait3A_95, %dma_wait3A_96] : memref<100000x128xf32, #tpu.memory_space<hbm>> -> memref<128x128xf32, #tpu.memory_space<hbm>>
    %dma_wait3A_98 = tpu.memref_slice %arg7[%dma_wait3A_90] : memref<5x!tpu.dma_semaphore, #tpu.memory_space<semaphore_mem>> -> memref<1x!tpu.dma_semaphore, #tpu.memory_space<semaphore_mem>>
    %dma_wait3A_99 = tpu.memref_squeeze %dma_wait3A_98 : memref<1x!tpu.dma_semaphore, #tpu.memory_space<semaphore_mem>> -> memref<!tpu.dma_semaphore, #tpu.memory_space<semaphore_mem>>
    %dma_wait3A_100 = arith.constant 0 : i32
    %dma_wait3A_101 = arith.constant 0 : i32
    %dma_wait3A_102 = tpu.memref_slice %arg6[%dma_wait3A_89, %dma_wait3A_100, %dma_wait3A_101] : memref<5x128x128xf32, #tpu.memory_space<vmem>> -> memref<1x128x128xf32, #tpu.memory_space<vmem>>
    %dma_wait3A_103 = tpu.memref_squeeze %dma_wait3A_102 : memref<1x128x128xf32, #tpu.memory_space<vmem>> -> memref<128x128xf32, #tpu.memory_space<vmem>>
    %dma_wait3A_104 = arith.constant 0 : i32
    %dma_wait3A_105 = arith.constant 0 : i32
    %dma_wait3A_106 = tpu.memref_slice %arg3[%dma_wait3A_104, %dma_wait3A_105] : memref<100000x128xf32, #tpu.memory_space<hbm>> -> memref<128x128xf32, #tpu.memory_space<hbm>>
    tpu.wait_dma2 semaphore(%dma_wait3A_99 : memref<!tpu.dma_semaphore, #tpu.memory_space<semaphore_mem>>) src(%dma_wait3A_106 : memref<128x128xf32, #tpu.memory_space<hbm>>) dst(%dma_wait3A_103 : memref<128x128xf32, #tpu.memory_space<vmem>>)
    %add3A_107 = arith.constant 128 : i32
    %add3A_108 = arith.addi %mul3A_2, %add3A_107 : i32
    %dma_start3A_109 = arith.constant 1 : i32
    %dma_start3A_110 = arith.constant 1 : i32
    %dma_start3A_111 = arith.constant 0 : i32
    %dma_start3A_112 = arith.constant 0 : i32
    %dma_start3A_113 = tpu.memref_slice %arg6[%dma_start3A_109, %dma_start3A_111, %dma_start3A_112] : memref<5x128x128xf32, #tpu.memory_space<vmem>> -> memref<1x128x128xf32, #tpu.memory_space<vmem>>
    %dma_start3A_114 = tpu.memref_squeeze %dma_start3A_113 : memref<1x128x128xf32, #tpu.memory_space<vmem>> -> memref<128x128xf32, #tpu.memory_space<vmem>>
    %dma_start3A_115 = arith.constant 0 : i32
    %dma_start3A_116 = tpu.memref_slice %arg4[%add3A_108, %dma_start3A_115] : memref<204800x128xf32, #tpu.memory_space<hbm>> -> memref<128x128xf32, #tpu.memory_space<hbm>>
    %dma_start3A_117 = tpu.memref_slice %arg8[%dma_start3A_110] : memref<5x!tpu.dma_semaphore, #tpu.memory_space<semaphore_mem>> -> memref<1x!tpu.dma_semaphore, #tpu.memory_space<semaphore_mem>>
    %dma_start3A_118 = tpu.memref_squeeze %dma_start3A_117 : memref<1x!tpu.dma_semaphore, #tpu.memory_space<semaphore_mem>> -> memref<!tpu.dma_semaphore, #tpu.memory_space<semaphore_mem>>
    %dma_start3A_119 = arith.constant 0 : i32
    %dma_start3A_120 = tpu.memref_slice %arg4[%add3A_108, %dma_start3A_119] : memref<204800x128xf32, #tpu.memory_space<hbm>> -> memref<128x128xf32, #tpu.memory_space<hbm>>
    %dma_start3A_121 = arith.constant 0 : i32
    %dma_start3A_122 = arith.constant 0 : i32
    %dma_start3A_123 = tpu.memref_slice %arg6[%dma_start3A_109, %dma_start3A_121, %dma_start3A_122] : memref<5x128x128xf32, #tpu.memory_space<vmem>> -> memref<1x128x128xf32, #tpu.memory_space<vmem>>
    %dma_start3A_124 = tpu.memref_squeeze %dma_start3A_123 : memref<1x128x128xf32, #tpu.memory_space<vmem>> -> memref<128x128xf32, #tpu.memory_space<vmem>>
    tpu.enqueue_dma source(%dma_start3A_124 : memref<128x128xf32, #tpu.memory_space<vmem>>) target(%dma_start3A_120 : memref<128x128xf32, #tpu.memory_space<hbm>>) target_semaphore(%dma_start3A_118 : memref<!tpu.dma_semaphore, #tpu.memory_space<semaphore_mem>>)
    %dma_start3A_125 = arith.constant 4 : i32
    %dma_start3A_126 = arith.constant 4 : i32
    %dma_start3A_127 = arith.constant 0 : i32
    %dma_start3A_128 = arith.constant 0 : i32
    %dma_start3A_129 = tpu.memref_slice %arg6[%dma_start3A_125, %dma_start3A_127, %dma_start3A_128] : memref<5x128x128xf32, #tpu.memory_space<vmem>> -> memref<1x128x128xf32, #tpu.memory_space<vmem>>
    %dma_start3A_130 = tpu.memref_squeeze %dma_start3A_129 : memref<1x128x128xf32, #tpu.memory_space<vmem>> -> memref<128x128xf32, #tpu.memory_space<vmem>>
    %dma_start3A_131 = arith.constant 512 : i32
    %dma_start3A_132 = tpu.memref_slice %arg5[%dma_start3A_131] : memref<6400xi32, #tpu.memory_space<vmem>> -> memref<128xi32, #tpu.memory_space<vmem>>
    %dma_start3A_133 = arith.constant 0 : i32
    %dma_start3A_134 = arith.constant 0 : i32
    %dma_start3A_135 = tpu.memref_slice %arg3[%dma_start3A_133, %dma_start3A_134] : memref<100000x128xf32, #tpu.memory_space<hbm>> -> memref<100000x128xf32, #tpu.memory_space<hbm>>
    %dma_start3A_136 = tpu.memref_slice %arg7[%dma_start3A_126] : memref<5x!tpu.dma_semaphore, #tpu.memory_space<semaphore_mem>> -> memref<1x!tpu.dma_semaphore, #tpu.memory_space<semaphore_mem>>
    %dma_start3A_137 = tpu.memref_squeeze %dma_start3A_136 : memref<1x!tpu.dma_semaphore, #tpu.memory_space<semaphore_mem>> -> memref<!tpu.dma_semaphore, #tpu.memory_space<semaphore_mem>>
    tpu.enqueue_indirect_dma source(%dma_start3A_135 : memref<100000x128xf32, #tpu.memory_space<hbm>>) target(%dma_start3A_130 : memref<128x128xf32, #tpu.memory_space<vmem>>) offsets(%dma_start3A_132 : memref<128xi32, #tpu.memory_space<vmem>>) semaphore(%dma_start3A_137 : memref<!tpu.dma_semaphore, #tpu.memory_space<semaphore_mem>>)
    %dma_wait3A_138 = arith.constant 2 : i32
    %dma_wait3A_139 = arith.constant 2 : i32
    %dma_wait3A_140 = arith.constant 0 : i32
    %dma_wait3A_141 = arith.constant 0 : i32
    %dma_wait3A_142 = tpu.memref_slice %arg6[%dma_wait3A_138, %dma_wait3A_140, %dma_wait3A_141] : memref<5x128x128xf32, #tpu.memory_space<vmem>> -> memref<1x128x128xf32, #tpu.memory_space<vmem>>
    %dma_wait3A_143 = tpu.memref_squeeze %dma_wait3A_142 : memref<1x128x128xf32, #tpu.memory_space<vmem>> -> memref<128x128xf32, #tpu.memory_space<vmem>>
    %dma_wait3A_144 = arith.constant 0 : i32
    %dma_wait3A_145 = arith.constant 0 : i32
    %dma_wait3A_146 = tpu.memref_slice %arg3[%dma_wait3A_144, %dma_wait3A_145] : memref<100000x128xf32, #tpu.memory_space<hbm>> -> memref<128x128xf32, #tpu.memory_space<hbm>>
    %dma_wait3A_147 = tpu.memref_slice %arg7[%dma_wait3A_139] : memref<5x!tpu.dma_semaphore, #tpu.memory_space<semaphore_mem>> -> memref<1x!tpu.dma_semaphore, #tpu.memory_space<semaphore_mem>>
    %dma_wait3A_148 = tpu.memref_squeeze %dma_wait3A_147 : memref<1x!tpu.dma_semaphore, #tpu.memory_space<semaphore_mem>> -> memref<!tpu.dma_semaphore, #tpu.memory_space<semaphore_mem>>
    %dma_wait3A_149 = arith.constant 0 : i32
    %dma_wait3A_150 = arith.constant 0 : i32
    %dma_wait3A_151 = tpu.memref_slice %arg6[%dma_wait3A_138, %dma_wait3A_149, %dma_wait3A_150] : memref<5x128x128xf32, #tpu.memory_space<vmem>> -> memref<1x128x128xf32, #tpu.memory_space<vmem>>
    %dma_wait3A_152 = tpu.memref_squeeze %dma_wait3A_151 : memref<1x128x128xf32, #tpu.memory_space<vmem>> -> memref<128x128xf32, #tpu.memory_space<vmem>>
    %dma_wait3A_153 = arith.constant 0 : i32
    %dma_wait3A_154 = arith.constant 0 : i32
    %dma_wait3A_155 = tpu.memref_slice %arg3[%dma_wait3A_153, %dma_wait3A_154] : memref<100000x128xf32, #tpu.memory_space<hbm>> -> memref<128x128xf32, #tpu.memory_space<hbm>>
    tpu.wait_dma2 semaphore(%dma_wait3A_148 : memref<!tpu.dma_semaphore, #tpu.memory_space<semaphore_mem>>) src(%dma_wait3A_155 : memref<128x128xf32, #tpu.memory_space<hbm>>) dst(%dma_wait3A_152 : memref<128x128xf32, #tpu.memory_space<vmem>>)
    %add3A_156 = arith.constant 256 : i32
    %add3A_157 = arith.addi %mul3A_2, %add3A_156 : i32
    %dma_start3A_158 = arith.constant 2 : i32
    %dma_start3A_159 = arith.constant 2 : i32
    %dma_start3A_160 = arith.constant 0 : i32
    %dma_start3A_161 = arith.constant 0 : i32
    %dma_start3A_162 = tpu.memref_slice %arg6[%dma_start3A_158, %dma_start3A_160, %dma_start3A_161] : memref<5x128x128xf32, #tpu.memory_space<vmem>> -> memref<1x128x128xf32, #tpu.memory_space<vmem>>
    %dma_start3A_163 = tpu.memref_squeeze %dma_start3A_162 : memref<1x128x128xf32, #tpu.memory_space<vmem>> -> memref<128x128xf32, #tpu.memory_space<vmem>>
    %dma_start3A_164 = arith.constant 0 : i32
    %dma_start3A_165 = tpu.memref_slice %arg4[%add3A_157, %dma_start3A_164] : memref<204800x128xf32, #tpu.memory_space<hbm>> -> memref<128x128xf32, #tpu.memory_space<hbm>>
    %dma_start3A_166 = tpu.memref_slice %arg8[%dma_start3A_159] : memref<5x!tpu.dma_semaphore, #tpu.memory_space<semaphore_mem>> -> memref<1x!tpu.dma_semaphore, #tpu.memory_space<semaphore_mem>>
    %dma_start3A_167 = tpu.memref_squeeze %dma_start3A_166 : memref<1x!tpu.dma_semaphore, #tpu.memory_space<semaphore_mem>> -> memref<!tpu.dma_semaphore, #tpu.memory_space<semaphore_mem>>
    %dma_start3A_168 = arith.constant 0 : i32
    %dma_start3A_169 = tpu.memref_slice %arg4[%add3A_157, %dma_start3A_168] : memref<204800x128xf32, #tpu.memory_space<hbm>> -> memref<128x128xf32, #tpu.memory_space<hbm>>
    %dma_start3A_170 = arith.constant 0 : i32
    %dma_start3A_171 = arith.constant 0 : i32
    %dma_start3A_172 = tpu.memref_slice %arg6[%dma_start3A_158, %dma_start3A_170, %dma_start3A_171] : memref<5x128x128xf32, #tpu.memory_space<vmem>> -> memref<1x128x128xf32, #tpu.memory_space<vmem>>
    %dma_start3A_173 = tpu.memref_squeeze %dma_start3A_172 : memref<1x128x128xf32, #tpu.memory_space<vmem>> -> memref<128x128xf32, #tpu.memory_space<vmem>>
    tpu.enqueue_dma source(%dma_start3A_173 : memref<128x128xf32, #tpu.memory_space<vmem>>) target(%dma_start3A_169 : memref<128x128xf32, #tpu.memory_space<hbm>>) target_semaphore(%dma_start3A_167 : memref<!tpu.dma_semaphore, #tpu.memory_space<semaphore_mem>>)
    %dma_wait3A_174 = arith.constant 0 : i32
    %dma_wait3A_175 = arith.constant 0 : i32
    %dma_wait3A_176 = arith.constant 0 : i32
    %dma_wait3A_177 = arith.constant 0 : i32
    %dma_wait3A_178 = tpu.memref_slice %arg6[%dma_wait3A_174, %dma_wait3A_176, %dma_wait3A_177] : memref<5x128x128xf32, #tpu.memory_space<vmem>> -> memref<1x128x128xf32, #tpu.memory_space<vmem>>
    %dma_wait3A_179 = tpu.memref_squeeze %dma_wait3A_178 : memref<1x128x128xf32, #tpu.memory_space<vmem>> -> memref<128x128xf32, #tpu.memory_space<vmem>>
    %dma_wait3A_180 = arith.constant 0 : i32
    %dma_wait3A_181 = tpu.memref_slice %arg4[%mul3A_2, %dma_wait3A_180] : memref<204800x128xf32, #tpu.memory_space<hbm>> -> memref<128x128xf32, #tpu.memory_space<hbm>>
    %dma_wait3A_182 = tpu.memref_slice %arg8[%dma_wait3A_175] : memref<5x!tpu.dma_semaphore, #tpu.memory_space<semaphore_mem>> -> memref<1x!tpu.dma_semaphore, #tpu.memory_space<semaphore_mem>>
    %dma_wait3A_183 = tpu.memref_squeeze %dma_wait3A_182 : memref<1x!tpu.dma_semaphore, #tpu.memory_space<semaphore_mem>> -> memref<!tpu.dma_semaphore, #tpu.memory_space<semaphore_mem>>
    %dma_wait3A_184 = arith.constant 0 : i32
    %dma_wait3A_185 = tpu.memref_slice %arg4[%mul3A_2, %dma_wait3A_184] : memref<204800x128xf32, #tpu.memory_space<hbm>> -> memref<128x128xf32, #tpu.memory_space<hbm>>
    %dma_wait3A_186 = arith.constant 0 : i32
    %dma_wait3A_187 = arith.constant 0 : i32
    %dma_wait3A_188 = tpu.memref_slice %arg6[%dma_wait3A_174, %dma_wait3A_186, %dma_wait3A_187] : memref<5x128x128xf32, #tpu.memory_space<vmem>> -> memref<1x128x128xf32, #tpu.memory_space<vmem>>
    %dma_wait3A_189 = tpu.memref_squeeze %dma_wait3A_188 : memref<1x128x128xf32, #tpu.memory_space<vmem>> -> memref<128x128xf32, #tpu.memory_space<vmem>>
    tpu.wait_dma2 semaphore(%dma_wait3A_183 : memref<!tpu.dma_semaphore, #tpu.memory_space<semaphore_mem>>) src(%dma_wait3A_189 : memref<128x128xf32, #tpu.memory_space<vmem>>) dst(%dma_wait3A_185 : memref<128x128xf32, #tpu.memory_space<hbm>>)
    %dma_start3A_190 = arith.constant 0 : i32
    %dma_start3A_191 = arith.constant 0 : i32
    %dma_start3A_192 = arith.constant 0 : i32
    %dma_start3A_193 = arith.constant 0 : i32
    %dma_start3A_194 = tpu.memref_slice %arg6[%dma_start3A_190, %dma_start3A_192, %dma_start3A_193] : memref<5x128x128xf32, #tpu.memory_space<vmem>> -> memref<1x128x128xf32, #tpu.memory_space<vmem>>
    %dma_start3A_195 = tpu.memref_squeeze %dma_start3A_194 : memref<1x128x128xf32, #tpu.memory_space<vmem>> -> memref<128x128xf32, #tpu.memory_space<vmem>>
    %dma_start3A_196 = arith.constant 640 : i32
    %dma_start3A_197 = tpu.memref_slice %arg5[%dma_start3A_196] : memref<6400xi32, #tpu.memory_space<vmem>> -> memref<128xi32, #tpu.memory_space<vmem>>
    %dma_start3A_198 = arith.constant 0 : i32
    %dma_start3A_199 = arith.constant 0 : i32
    %dma_start3A_200 = tpu.memref_slice %arg3[%dma_start3A_198, %dma_start3A_199] : memref<100000x128xf32, #tpu.memory_space<hbm>> -> memref<100000x128xf32, #tpu.memory_space<hbm>>
    %dma_start3A_201 = tpu.memref_slice %arg7[%dma_start3A_191] : memref<5x!tpu.dma_semaphore, #tpu.memory_space<semaphore_mem>> -> memref<1x!tpu.dma_semaphore, #tpu.memory_space<semaphore_mem>>
    %dma_start3A_202 = tpu.memref_squeeze %dma_start3A_201 : memref<1x!tpu.dma_semaphore, #tpu.memory_space<semaphore_mem>> -> memref<!tpu.dma_semaphore, #tpu.memory_space<semaphore_mem>>
    tpu.enqueue_indirect_dma source(%dma_start3A_200 : memref<100000x128xf32, #tpu.memory_space<hbm>>) target(%dma_start3A_195 : memref<128x128xf32, #tpu.memory_space<vmem>>) offsets(%dma_start3A_197 : memref<128xi32, #tpu.memory_space<vmem>>) semaphore(%dma_start3A_202 : memref<!tpu.dma_semaphore, #tpu.memory_space<semaphore_mem>>)
    %dma_wait3A_203 = arith.constant 3 : i32
    %dma_wait3A_204 = arith.constant 3 : i32
    %dma_wait3A_205 = arith.constant 0 : i32
    %dma_wait3A_206 = arith.constant 0 : i32
    %dma_wait3A_207 = tpu.memref_slice %arg6[%dma_wait3A_203, %dma_wait3A_205, %dma_wait3A_206] : memref<5x128x128xf32, #tpu.memory_space<vmem>> -> memref<1x128x128xf32, #tpu.memory_space<vmem>>
    %dma_wait3A_208 = tpu.memref_squeeze %dma_wait3A_207 : memref<1x128x128xf32, #tpu.memory_space<vmem>> -> memref<128x128xf32, #tpu.memory_space<vmem>>
    %dma_wait3A_209 = arith.constant 0 : i32
    %dma_wait3A_210 = arith.constant 0 : i32
    %dma_wait3A_211 = tpu.memref_slice %arg3[%dma_wait3A_209, %dma_wait3A_210] : memref<100000x128xf32, #tpu.memory_space<hbm>> -> memref<128x128xf32, #tpu.memory_space<hbm>>
    %dma_wait3A_212 = tpu.memref_slice %arg7[%dma_wait3A_204] : memref<5x!tpu.dma_semaphore, #tpu.memory_space<semaphore_mem>> -> memref<1x!tpu.dma_semaphore, #tpu.memory_space<semaphore_mem>>
    %dma_wait3A_213 = tpu.memref_squeeze %dma_wait3A_212 : memref<1x!tpu.dma_semaphore, #tpu.memory_space<semaphore_mem>> -> memref<!tpu.dma_semaphore, #tpu.memory_space<semaphore_mem>>
    %dma_wait3A_214 = arith.constant 0 : i32
    %dma_wait3A_215 = arith.constant 0 : i32
    %dma_wait3A_216 = tpu.memref_slice %arg6[%dma_wait3A_203, %dma_wait3A_214, %dma_wait3A_215] : memref<5x128x128xf32, #tpu.memory_space<vmem>> -> memref<1x128x128xf32, #tpu.memory_space<vmem>>
    %dma_wait3A_217 = tpu.memref_squeeze %dma_wait3A_216 : memref<1x128x128xf32, #tpu.memory_space<vmem>> -> memref<128x128xf32, #tpu.memory_space<vmem>>
    %dma_wait3A_218 = arith.constant 0 : i32
    %dma_wait3A_219 = arith.constant 0 : i32
    %dma_wait3A_220 = tpu.memref_slice %arg3[%dma_wait3A_218, %dma_wait3A_219] : memref<100000x128xf32, #tpu.memory_space<hbm>> -> memref<128x128xf32, #tpu.memory_space<hbm>>
    tpu.wait_dma2 semaphore(%dma_wait3A_213 : memref<!tpu.dma_semaphore, #tpu.memory_space<semaphore_mem>>) src(%dma_wait3A_220 : memref<128x128xf32, #tpu.memory_space<hbm>>) dst(%dma_wait3A_217 : memref<128x128xf32, #tpu.memory_space<vmem>>)
    %add3A_221 = arith.constant 384 : i32
    %add3A_222 = arith.addi %mul3A_2, %add3A_221 : i32
    %dma_start3A_223 = arith.constant 3 : i32
    %dma_start3A_224 = arith.constant 3 : i32
    %dma_start3A_225 = arith.constant 0 : i32
    %dma_start3A_226 = arith.constant 0 : i32
    %dma_start3A_227 = tpu.memref_slice %arg6[%dma_start3A_223, %dma_start3A_225, %dma_start3A_226] : memref<5x128x128xf32, #tpu.memory_space<vmem>> -> memref<1x128x128xf32, #tpu.memory_space<vmem>>
    %dma_start3A_228 = tpu.memref_squeeze %dma_start3A_227 : memref<1x128x128xf32, #tpu.memory_space<vmem>> -> memref<128x128xf32, #tpu.memory_space<vmem>>
    %dma_start3A_229 = arith.constant 0 : i32
    %dma_start3A_230 = tpu.memref_slice %arg4[%add3A_222, %dma_start3A_229] : memref<204800x128xf32, #tpu.memory_space<hbm>> -> memref<128x128xf32, #tpu.memory_space<hbm>>
    %dma_start3A_231 = tpu.memref_slice %arg8[%dma_start3A_224] : memref<5x!tpu.dma_semaphore, #tpu.memory_space<semaphore_mem>> -> memref<1x!tpu.dma_semaphore, #tpu.memory_space<semaphore_mem>>
    %dma_start3A_232 = tpu.memref_squeeze %dma_start3A_231 : memref<1x!tpu.dma_semaphore, #tpu.memory_space<semaphore_mem>> -> memref<!tpu.dma_semaphore, #tpu.memory_space<semaphore_mem>>
    %dma_start3A_233 = arith.constant 0 : i32
    %dma_start3A_234 = tpu.memref_slice %arg4[%add3A_222, %dma_start3A_233] : memref<204800x128xf32, #tpu.memory_space<hbm>> -> memref<128x128xf32, #tpu.memory_space<hbm>>
    %dma_start3A_235 = arith.constant 0 : i32
    %dma_start3A_236 = arith.constant 0 : i32
    %dma_start3A_237 = tpu.memref_slice %arg6[%dma_start3A_223, %dma_start3A_235, %dma_start3A_236] : memref<5x128x128xf32, #tpu.memory_space<vmem>> -> memref<1x128x128xf32, #tpu.memory_space<vmem>>
    %dma_start3A_238 = tpu.memref_squeeze %dma_start3A_237 : memref<1x128x128xf32, #tpu.memory_space<vmem>> -> memref<128x128xf32, #tpu.memory_space<vmem>>
    tpu.enqueue_dma source(%dma_start3A_238 : memref<128x128xf32, #tpu.memory_space<vmem>>) target(%dma_start3A_234 : memref<128x128xf32, #tpu.memory_space<hbm>>) target_semaphore(%dma_start3A_232 : memref<!tpu.dma_semaphore, #tpu.memory_space<semaphore_mem>>)
    %dma_wait3A_239 = arith.constant 1 : i32
    %dma_wait3A_240 = arith.constant 1 : i32
    %dma_wait3A_241 = arith.constant 0 : i32
    %dma_wait3A_242 = arith.constant 0 : i32
    %dma_wait3A_243 = tpu.memref_slice %arg6[%dma_wait3A_239, %dma_wait3A_241, %dma_wait3A_242] : memref<5x128x128xf32, #tpu.memory_space<vmem>> -> memref<1x128x128xf32, #tpu.memory_space<vmem>>
    %dma_wait3A_244 = tpu.memref_squeeze %dma_wait3A_243 : memref<1x128x128xf32, #tpu.memory_space<vmem>> -> memref<128x128xf32, #tpu.memory_space<vmem>>
    %dma_wait3A_245 = arith.constant 0 : i32
    %dma_wait3A_246 = tpu.memref_slice %arg4[%mul3A_2, %dma_wait3A_245] : memref<204800x128xf32, #tpu.memory_space<hbm>> -> memref<128x128xf32, #tpu.memory_space<hbm>>
    %dma_wait3A_247 = tpu.memref_slice %arg8[%dma_wait3A_240] : memref<5x!tpu.dma_semaphore, #tpu.memory_space<semaphore_mem>> -> memref<1x!tpu.dma_semaphore, #tpu.memory_space<semaphore_mem>>
    %dma_wait3A_248 = tpu.memref_squeeze %dma_wait3A_247 : memref<1x!tpu.dma_semaphore, #tpu.memory_space<semaphore_mem>> -> memref<!tpu.dma_semaphore, #tpu.memory_space<semaphore_mem>>
    %dma_wait3A_249 = arith.constant 0 : i32
    %dma_wait3A_250 = tpu.memref_slice %arg4[%mul3A_2, %dma_wait3A_249] : memref<204800x128xf32, #tpu.memory_space<hbm>> -> memref<128x128xf32, #tpu.memory_space<hbm>>
    %dma_wait3A_251 = arith.constant 0 : i32
    %dma_wait3A_252 = arith.constant 0 : i32
    %dma_wait3A_253 = tpu.memref_slice %arg6[%dma_wait3A_239, %dma_wait3A_251, %dma_wait3A_252] : memref<5x128x128xf32, #tpu.memory_space<vmem>> -> memref<1x128x128xf32, #tpu.memory_space<vmem>>
    %dma_wait3A_254 = tpu.memref_squeeze %dma_wait3A_253 : memref<1x128x128xf32, #tpu.memory_space<vmem>> -> memref<128x128xf32, #tpu.memory_space<vmem>>
    tpu.wait_dma2 semaphore(%dma_wait3A_248 : memref<!tpu.dma_semaphore, #tpu.memory_space<semaphore_mem>>) src(%dma_wait3A_254 : memref<128x128xf32, #tpu.memory_space<vmem>>) dst(%dma_wait3A_250 : memref<128x128xf32, #tpu.memory_space<hbm>>)
    %dma_start3A_255 = arith.constant 1 : i32
    %dma_start3A_256 = arith.constant 1 : i32
    %dma_start3A_257 = arith.constant 0 : i32
    %dma_start3A_258 = arith.constant 0 : i32
    %dma_start3A_259 = tpu.memref_slice %arg6[%dma_start3A_255, %dma_start3A_257, %dma_start3A_258] : memref<5x128x128xf32, #tpu.memory_space<vmem>> -> memref<1x128x128xf32, #tpu.memory_space<vmem>>
    %dma_start3A_260 = tpu.memref_squeeze %dma_start3A_259 : memref<1x128x128xf32, #tpu.memory_space<vmem>> -> memref<128x128xf32, #tpu.memory_space<vmem>>
    %dma_start3A_261 = arith.constant 768 : i32
    %dma_start3A_262 = tpu.memref_slice %arg5[%dma_start3A_261] : memref<6400xi32, #tpu.memory_space<vmem>> -> memref<128xi32, #tpu.memory_space<vmem>>
    %dma_start3A_263 = arith.constant 0 : i32
    %dma_start3A_264 = arith.constant 0 : i32
    %dma_start3A_265 = tpu.memref_slice %arg3[%dma_start3A_263, %dma_start3A_264] : memref<100000x128xf32, #tpu.memory_space<hbm>> -> memref<100000x128xf32, #tpu.memory_space<hbm>>
    %dma_start3A_266 = tpu.memref_slice %arg7[%dma_start3A_256] : memref<5x!tpu.dma_semaphore, #tpu.memory_space<semaphore_mem>> -> memref<1x!tpu.dma_semaphore, #tpu.memory_space<semaphore_mem>>
    %dma_start3A_267 = tpu.memref_squeeze %dma_start3A_266 : memref<1x!tpu.dma_semaphore, #tpu.memory_space<semaphore_mem>> -> memref<!tpu.dma_semaphore, #tpu.memory_space<semaphore_mem>>
    tpu.enqueue_indirect_dma source(%dma_start3A_265 : memref<100000x128xf32, #tpu.memory_space<hbm>>) target(%dma_start3A_260 : memref<128x128xf32, #tpu.memory_space<vmem>>) offsets(%dma_start3A_262 : memref<128xi32, #tpu.memory_space<vmem>>) semaphore(%dma_start3A_267 : memref<!tpu.dma_semaphore, #tpu.memory_space<semaphore_mem>>)
    %dma_wait3A_268 = arith.constant 4 : i32
    %dma_wait3A_269 = arith.constant 4 : i32
    %dma_wait3A_270 = arith.constant 0 : i32
    %dma_wait3A_271 = arith.constant 0 : i32
    %dma_wait3A_272 = tpu.memref_slice %arg6[%dma_wait3A_268, %dma_wait3A_270, %dma_wait3A_271] : memref<5x128x128xf32, #tpu.memory_space<vmem>> -> memref<1x128x128xf32, #tpu.memory_space<vmem>>
    %dma_wait3A_273 = tpu.memref_squeeze %dma_wait3A_272 : memref<1x128x128xf32, #tpu.memory_space<vmem>> -> memref<128x128xf32, #tpu.memory_space<vmem>>
    %dma_wait3A_274 = arith.constant 0 : i32
    %dma_wait3A_275 = arith.constant 0 : i32
    %dma_wait3A_276 = tpu.memref_slice %arg3[%dma_wait3A_274, %dma_wait3A_275] : memref<100000x128xf32, #tpu.memory_space<hbm>> -> memref<128x128xf32, #tpu.memory_space<hbm>>
    %dma_wait3A_277 = tpu.memref_slice %arg7[%dma_wait3A_269] : memref<5x!tpu.dma_semaphore, #tpu.memory_space<semaphore_mem>> -> memref<1x!tpu.dma_semaphore, #tpu.memory_space<semaphore_mem>>
    %dma_wait3A_278 = tpu.memref_squeeze %dma_wait3A_277 : memref<1x!tpu.dma_semaphore, #tpu.memory_space<semaphore_mem>> -> memref<!tpu.dma_semaphore, #tpu.memory_space<semaphore_mem>>
    %dma_wait3A_279 = arith.constant 0 : i32
    %dma_wait3A_280 = arith.constant 0 : i32
    %dma_wait3A_281 = tpu.memref_slice %arg6[%dma_wait3A_268, %dma_wait3A_279, %dma_wait3A_280] : memref<5x128x128xf32, #tpu.memory_space<vmem>> -> memref<1x128x128xf32, #tpu.memory_space<vmem>>
    %dma_wait3A_282 = tpu.memref_squeeze %dma_wait3A_281 : memref<1x128x128xf32, #tpu.memory_space<vmem>> -> memref<128x128xf32, #tpu.memory_space<vmem>>
    %dma_wait3A_283 = arith.constant 0 : i32
    %dma_wait3A_284 = arith.constant 0 : i32
    %dma_wait3A_285 = tpu.memref_slice %arg3[%dma_wait3A_283, %dma_wait3A_284] : memref<100000x128xf32, #tpu.memory_space<hbm>> -> memref<128x128xf32, #tpu.memory_space<hbm>>
    tpu.wait_dma2 semaphore(%dma_wait3A_278 : memref<!tpu.dma_semaphore, #tpu.memory_space<semaphore_mem>>) src(%dma_wait3A_285 : memref<128x128xf32, #tpu.memory_space<hbm>>) dst(%dma_wait3A_282 : memref<128x128xf32, #tpu.memory_space<vmem>>)
    %add3A_286 = arith.constant 512 : i32
    %add3A_287 = arith.addi %mul3A_2, %add3A_286 : i32
    %dma_start3A_288 = arith.constant 4 : i32
    %dma_start3A_289 = arith.constant 4 : i32
    %dma_start3A_290 = arith.constant 0 : i32
    %dma_start3A_291 = arith.constant 0 : i32
    %dma_start3A_292 = tpu.memref_slice %arg6[%dma_start3A_288, %dma_start3A_290, %dma_start3A_291] : memref<5x128x128xf32, #tpu.memory_space<vmem>> -> memref<1x128x128xf32, #tpu.memory_space<vmem>>
    %dma_start3A_293 = tpu.memref_squeeze %dma_start3A_292 : memref<1x128x128xf32, #tpu.memory_space<vmem>> -> memref<128x128xf32, #tpu.memory_space<vmem>>
    %dma_start3A_294 = arith.constant 0 : i32
    %dma_start3A_295 = tpu.memref_slice %arg4[%add3A_287, %dma_start3A_294] : memref<204800x128xf32, #tpu.memory_space<hbm>> -> memref<128x128xf32, #tpu.memory_space<hbm>>
    %dma_start3A_296 = tpu.memref_slice %arg8[%dma_start3A_289] : memref<5x!tpu.dma_semaphore, #tpu.memory_space<semaphore_mem>> -> memref<1x!tpu.dma_semaphore, #tpu.memory_space<semaphore_mem>>
    %dma_start3A_297 = tpu.memref_squeeze %dma_start3A_296 : memref<1x!tpu.dma_semaphore, #tpu.memory_space<semaphore_mem>> -> memref<!tpu.dma_semaphore, #tpu.memory_space<semaphore_mem>>
    %dma_start3A_298 = arith.constant 0 : i32
    %dma_start3A_299 = tpu.memref_slice %arg4[%add3A_287, %dma_start3A_298] : memref<204800x128xf32, #tpu.memory_space<hbm>> -> memref<128x128xf32, #tpu.memory_space<hbm>>
    %dma_start3A_300 = arith.constant 0 : i32
    %dma_start3A_301 = arith.constant 0 : i32
    %dma_start3A_302 = tpu.memref_slice %arg6[%dma_start3A_288, %dma_start3A_300, %dma_start3A_301] : memref<5x128x128xf32, #tpu.memory_space<vmem>> -> memref<1x128x128xf32, #tpu.memory_space<vmem>>
    %dma_start3A_303 = tpu.memref_squeeze %dma_start3A_302 : memref<1x128x128xf32, #tpu.memory_space<vmem>> -> memref<128x128xf32, #tpu.memory_space<vmem>>
    tpu.enqueue_dma source(%dma_start3A_303 : memref<128x128xf32, #tpu.memory_space<vmem>>) target(%dma_start3A_299 : memref<128x128xf32, #tpu.memory_space<hbm>>) target_semaphore(%dma_start3A_297 : memref<!tpu.dma_semaphore, #tpu.memory_space<semaphore_mem>>)
    %dma_wait3A_304 = arith.constant 2 : i32
    %dma_wait3A_305 = arith.constant 2 : i32
    %dma_wait3A_306 = arith.constant 0 : i32
    %dma_wait3A_307 = arith.constant 0 : i32
    %dma_wait3A_308 = tpu.memref_slice %arg6[%dma_wait3A_304, %dma_wait3A_306, %dma_wait3A_307] : memref<5x128x128xf32, #tpu.memory_space<vmem>> -> memref<1x128x128xf32, #tpu.memory_space<vmem>>
    %dma_wait3A_309 = tpu.memref_squeeze %dma_wait3A_308 : memref<1x128x128xf32, #tpu.memory_space<vmem>> -> memref<128x128xf32, #tpu.memory_space<vmem>>
    %dma_wait3A_310 = arith.constant 0 : i32
    %dma_wait3A_311 = tpu.memref_slice %arg4[%mul3A_2, %dma_wait3A_310] : memref<204800x128xf32, #tpu.memory_space<hbm>> -> memref<128x128xf32, #tpu.memory_space<hbm>>
    %dma_wait3A_312 = tpu.memref_slice %arg8[%dma_wait3A_305] : memref<5x!tpu.dma_semaphore, #tpu.memory_space<semaphore_mem>> -> memref<1x!tpu.dma_semaphore, #tpu.memory_space<semaphore_mem>>
    %dma_wait3A_313 = tpu.memref_squeeze %dma_wait3A_312 : memref<1x!tpu.dma_semaphore, #tpu.memory_space<semaphore_mem>> -> memref<!tpu.dma_semaphore, #tpu.memory_space<semaphore_mem>>
    %dma_wait3A_314 = arith.constant 0 : i32
    %dma_wait3A_315 = tpu.memref_slice %arg4[%mul3A_2, %dma_wait3A_314] : memref<204800x128xf32, #tpu.memory_space<hbm>> -> memref<128x128xf32, #tpu.memory_space<hbm>>
    %dma_wait3A_316 = arith.constant 0 : i32
    %dma_wait3A_317 = arith.constant 0 : i32
    %dma_wait3A_318 = tpu.memref_slice %arg6[%dma_wait3A_304, %dma_wait3A_316, %dma_wait3A_317] : memref<5x128x128xf32, #tpu.memory_space<vmem>> -> memref<1x128x128xf32, #tpu.memory_space<vmem>>
    %dma_wait3A_319 = tpu.memref_squeeze %dma_wait3A_318 : memref<1x128x128xf32, #tpu.memory_space<vmem>> -> memref<128x128xf32, #tpu.memory_space<vmem>>
    tpu.wait_dma2 semaphore(%dma_wait3A_313 : memref<!tpu.dma_semaphore, #tpu.memory_space<semaphore_mem>>) src(%dma_wait3A_319 : memref<128x128xf32, #tpu.memory_space<vmem>>) dst(%dma_wait3A_315 : memref<128x128xf32, #tpu.memory_space<hbm>>)
    %dma_start3A_320 = arith.constant 2 : i32
    %dma_start3A_321 = arith.constant 2 : i32
    %dma_start3A_322 = arith.constant 0 : i32
    %dma_start3A_323 = arith.constant 0 : i32
    %dma_start3A_324 = tpu.memref_slice %arg6[%dma_start3A_320, %dma_start3A_322, %dma_start3A_323] : memref<5x128x128xf32, #tpu.memory_space<vmem>> -> memref<1x128x128xf32, #tpu.memory_space<vmem>>
    %dma_start3A_325 = tpu.memref_squeeze %dma_start3A_324 : memref<1x128x128xf32, #tpu.memory_space<vmem>> -> memref<128x128xf32, #tpu.memory_space<vmem>>
    %dma_start3A_326 = arith.constant 896 : i32
    %dma_start3A_327 = tpu.memref_slice %arg5[%dma_start3A_326] : memref<6400xi32, #tpu.memory_space<vmem>> -> memref<128xi32, #tpu.memory_space<vmem>>
    %dma_start3A_328 = arith.constant 0 : i32
    %dma_start3A_329 = arith.constant 0 : i32
    %dma_start3A_330 = tpu.memref_slice %arg3[%dma_start3A_328, %dma_start3A_329] : memref<100000x128xf32, #tpu.memory_space<hbm>> -> memref<100000x128xf32, #tpu.memory_space<hbm>>
    %dma_start3A_331 = tpu.memref_slice %arg7[%dma_start3A_321] : memref<5x!tpu.dma_semaphore, #tpu.memory_space<semaphore_mem>> -> memref<1x!tpu.dma_semaphore, #tpu.memory_space<semaphore_mem>>
    %dma_start3A_332 = tpu.memref_squeeze %dma_start3A_331 : memref<1x!tpu.dma_semaphore, #tpu.memory_space<semaphore_mem>> -> memref<!tpu.dma_semaphore, #tpu.memory_space<semaphore_mem>>
    tpu.enqueue_indirect_dma source(%dma_start3A_330 : memref<100000x128xf32, #tpu.memory_space<hbm>>) target(%dma_start3A_325 : memref<128x128xf32, #tpu.memory_space<vmem>>) offsets(%dma_start3A_327 : memref<128xi32, #tpu.memory_space<vmem>>) semaphore(%dma_start3A_332 : memref<!tpu.dma_semaphore, #tpu.memory_space<semaphore_mem>>)
    %scan3A = arith.constant 0 : i32
    %scan3A_333 = arith.constant 1 : i32
    %scan3A_334 = arith.constant 8 : i32
    %scan3A_335 = arith.addi %scan3A_333, %scan3A_334 : i32
    %scan3A_336 = arith.constant 1 : i32
    scf.for %scan3A_656 = %scan3A_333 to %scan3A_335 step %scan3A_336  : i32 {
      %mul3A_657 = arith.constant 5 : i32
      %mul3A_658 = arith.muli %scan3A_656, %mul3A_657 : i32
      %dma_wait3A_659 = arith.constant 0 : i32
      %dma_wait3A_660 = arith.constant 0 : i32
      %dma_wait3A_661 = arith.constant 0 : i32
      %dma_wait3A_662 = arith.constant 0 : i32
      %dma_wait3A_663 = tpu.memref_slice %arg6[%dma_wait3A_659, %dma_wait3A_661, %dma_wait3A_662] : memref<5x128x128xf32, #tpu.memory_space<vmem>> -> memref<1x128x128xf32, #tpu.memory_space<vmem>>
      %dma_wait3A_664 = tpu.memref_squeeze %dma_wait3A_663 : memref<1x128x128xf32, #tpu.memory_space<vmem>> -> memref<128x128xf32, #tpu.memory_space<vmem>>
      %dma_wait3A_665 = arith.constant 0 : i32
      %dma_wait3A_666 = arith.constant 0 : i32
      %dma_wait3A_667 = tpu.memref_slice %arg3[%dma_wait3A_665, %dma_wait3A_666] : memref<100000x128xf32, #tpu.memory_space<hbm>> -> memref<128x128xf32, #tpu.memory_space<hbm>>
      %dma_wait3A_668 = tpu.memref_slice %arg7[%dma_wait3A_660] : memref<5x!tpu.dma_semaphore, #tpu.memory_space<semaphore_mem>> -> memref<1x!tpu.dma_semaphore, #tpu.memory_space<semaphore_mem>>
      %dma_wait3A_669 = tpu.memref_squeeze %dma_wait3A_668 : memref<1x!tpu.dma_semaphore, #tpu.memory_space<semaphore_mem>> -> memref<!tpu.dma_semaphore, #tpu.memory_space<semaphore_mem>>
      %dma_wait3A_670 = arith.constant 0 : i32
      %dma_wait3A_671 = arith.constant 0 : i32
      %dma_wait3A_672 = tpu.memref_slice %arg6[%dma_wait3A_659, %dma_wait3A_670, %dma_wait3A_671] : memref<5x128x128xf32, #tpu.memory_space<vmem>> -> memref<1x128x128xf32, #tpu.memory_space<vmem>>
      %dma_wait3A_673 = tpu.memref_squeeze %dma_wait3A_672 : memref<1x128x128xf32, #tpu.memory_space<vmem>> -> memref<128x128xf32, #tpu.memory_space<vmem>>
      %dma_wait3A_674 = arith.constant 0 : i32
      %dma_wait3A_675 = arith.constant 0 : i32
      %dma_wait3A_676 = tpu.memref_slice %arg3[%dma_wait3A_674, %dma_wait3A_675] : memref<100000x128xf32, #tpu.memory_space<hbm>> -> memref<128x128xf32, #tpu.memory_space<hbm>>
      tpu.wait_dma2 semaphore(%dma_wait3A_669 : memref<!tpu.dma_semaphore, #tpu.memory_space<semaphore_mem>>) src(%dma_wait3A_676 : memref<128x128xf32, #tpu.memory_space<hbm>>) dst(%dma_wait3A_673 : memref<128x128xf32, #tpu.memory_space<vmem>>)
      %add3A_677 = arith.constant 0 : i32
      %add3A_678 = arith.addi %mul3A_658, %add3A_677 : i32
      %mul3A_679 = arith.constant 128 : i32
      %mul3A_680 = arith.muli %add3A_678, %mul3A_679 : i32
      %add3A_681 = arith.addi %mul3A_2, %mul3A_680 : i32
      %dma_start3A_682 = arith.constant 0 : i32
      %dma_start3A_683 = arith.constant 0 : i32
      %dma_start3A_684 = arith.constant 0 : i32
      %dma_start3A_685 = arith.constant 0 : i32
      %dma_start3A_686 = tpu.memref_slice %arg6[%dma_start3A_682, %dma_start3A_684, %dma_start3A_685] : memref<5x128x128xf32, #tpu.memory_space<vmem>> -> memref<1x128x128xf32, #tpu.memory_space<vmem>>
      %dma_start3A_687 = tpu.memref_squeeze %dma_start3A_686 : memref<1x128x128xf32, #tpu.memory_space<vmem>> -> memref<128x128xf32, #tpu.memory_space<vmem>>
      %dma_start3A_688 = arith.constant 0 : i32
      %dma_start3A_689 = tpu.memref_slice %arg4[%add3A_681, %dma_start3A_688] : memref<204800x128xf32, #tpu.memory_space<hbm>> -> memref<128x128xf32, #tpu.memory_space<hbm>>
      %dma_start3A_690 = tpu.memref_slice %arg8[%dma_start3A_683] : memref<5x!tpu.dma_semaphore, #tpu.memory_space<semaphore_mem>> -> memref<1x!tpu.dma_semaphore, #tpu.memory_space<semaphore_mem>>
      %dma_start3A_691 = tpu.memref_squeeze %dma_start3A_690 : memref<1x!tpu.dma_semaphore, #tpu.memory_space<semaphore_mem>> -> memref<!tpu.dma_semaphore, #tpu.memory_space<semaphore_mem>>
      %dma_start3A_692 = arith.constant 0 : i32
      %dma_start3A_693 = tpu.memref_slice %arg4[%add3A_681, %dma_start3A_692] : memref<204800x128xf32, #tpu.memory_space<hbm>> -> memref<128x128xf32, #tpu.memory_space<hbm>>
      %dma_start3A_694 = arith.constant 0 : i32
      %dma_start3A_695 = arith.constant 0 : i32
      %dma_start3A_696 = tpu.memref_slice %arg6[%dma_start3A_682, %dma_start3A_694, %dma_start3A_695] : memref<5x128x128xf32, #tpu.memory_space<vmem>> -> memref<1x128x128xf32, #tpu.memory_space<vmem>>
      %dma_start3A_697 = tpu.memref_squeeze %dma_start3A_696 : memref<1x128x128xf32, #tpu.memory_space<vmem>> -> memref<128x128xf32, #tpu.memory_space<vmem>>
      tpu.enqueue_dma source(%dma_start3A_697 : memref<128x128xf32, #tpu.memory_space<vmem>>) target(%dma_start3A_693 : memref<128x128xf32, #tpu.memory_space<hbm>>) target_semaphore(%dma_start3A_691 : memref<!tpu.dma_semaphore, #tpu.memory_space<semaphore_mem>>)
      %dma_wait3A_698 = arith.constant 3 : i32
      %dma_wait3A_699 = arith.constant 3 : i32
      %dma_wait3A_700 = arith.constant 0 : i32
      %dma_wait3A_701 = arith.constant 0 : i32
      %dma_wait3A_702 = tpu.memref_slice %arg6[%dma_wait3A_698, %dma_wait3A_700, %dma_wait3A_701] : memref<5x128x128xf32, #tpu.memory_space<vmem>> -> memref<1x128x128xf32, #tpu.memory_space<vmem>>
      %dma_wait3A_703 = tpu.memref_squeeze %dma_wait3A_702 : memref<1x128x128xf32, #tpu.memory_space<vmem>> -> memref<128x128xf32, #tpu.memory_space<vmem>>
      %dma_wait3A_704 = arith.constant 0 : i32
      %dma_wait3A_705 = tpu.memref_slice %arg4[%mul3A_2, %dma_wait3A_704] : memref<204800x128xf32, #tpu.memory_space<hbm>> -> memref<128x128xf32, #tpu.memory_space<hbm>>
      %dma_wait3A_706 = tpu.memref_slice %arg8[%dma_wait3A_699] : memref<5x!tpu.dma_semaphore, #tpu.memory_space<semaphore_mem>> -> memref<1x!tpu.dma_semaphore, #tpu.memory_space<semaphore_mem>>
      %dma_wait3A_707 = tpu.memref_squeeze %dma_wait3A_706 : memref<1x!tpu.dma_semaphore, #tpu.memory_space<semaphore_mem>> -> memref<!tpu.dma_semaphore, #tpu.memory_space<semaphore_mem>>
      %dma_wait3A_708 = arith.constant 0 : i32
      %dma_wait3A_709 = tpu.memref_slice %arg4[%mul3A_2, %dma_wait3A_708] : memref<204800x128xf32, #tpu.memory_space<hbm>> -> memref<128x128xf32, #tpu.memory_space<hbm>>
      %dma_wait3A_710 = arith.constant 0 : i32
      %dma_wait3A_711 = arith.constant 0 : i32
      %dma_wait3A_712 = tpu.memref_slice %arg6[%dma_wait3A_698, %dma_wait3A_710, %dma_wait3A_711] : memref<5x128x128xf32, #tpu.memory_space<vmem>> -> memref<1x128x128xf32, #tpu.memory_space<vmem>>
      %dma_wait3A_713 = tpu.memref_squeeze %dma_wait3A_712 : memref<1x128x128xf32, #tpu.memory_space<vmem>> -> memref<128x128xf32, #tpu.memory_space<vmem>>
      tpu.wait_dma2 semaphore(%dma_wait3A_707 : memref<!tpu.dma_semaphore, #tpu.memory_space<semaphore_mem>>) src(%dma_wait3A_713 : memref<128x128xf32, #tpu.memory_space<vmem>>) dst(%dma_wait3A_709 : memref<128x128xf32, #tpu.memory_space<hbm>>)
      %add3A_714 = arith.constant 0 : i32
      %add3A_715 = arith.addi %mul3A_658, %add3A_714 : i32
      %add3A_716 = arith.constant 3 : i32
      %add3A_717 = arith.addi %add3A_715, %add3A_716 : i32
      %mul3A_718 = arith.constant 128 : i32
      %mul3A_719 = arith.muli %add3A_717, %mul3A_718 : i32
      %dma_start3A_720 = arith.constant 3 : i32
      %dma_start3A_721 = arith.constant 3 : i32
      %dma_start3A_722 = arith.constant 0 : i32
      %dma_start3A_723 = arith.constant 0 : i32
      %dma_start3A_724 = tpu.memref_slice %arg6[%dma_start3A_720, %dma_start3A_722, %dma_start3A_723] : memref<5x128x128xf32, #tpu.memory_space<vmem>> -> memref<1x128x128xf32, #tpu.memory_space<vmem>>
      %dma_start3A_725 = tpu.memref_squeeze %dma_start3A_724 : memref<1x128x128xf32, #tpu.memory_space<vmem>> -> memref<128x128xf32, #tpu.memory_space<vmem>>
      %dma_start3A_726 = tpu.memref_slice %arg5[%mul3A_719] : memref<6400xi32, #tpu.memory_space<vmem>> -> memref<128xi32, #tpu.memory_space<vmem>>
      %dma_start3A_727 = arith.constant 0 : i32
      %dma_start3A_728 = arith.constant 0 : i32
      %dma_start3A_729 = tpu.memref_slice %arg3[%dma_start3A_727, %dma_start3A_728] : memref<100000x128xf32, #tpu.memory_space<hbm>> -> memref<100000x128xf32, #tpu.memory_space<hbm>>
      %dma_start3A_730 = tpu.memref_slice %arg7[%dma_start3A_721] : memref<5x!tpu.dma_semaphore, #tpu.memory_space<semaphore_mem>> -> memref<1x!tpu.dma_semaphore, #tpu.memory_space<semaphore_mem>>
      %dma_start3A_731 = tpu.memref_squeeze %dma_start3A_730 : memref<1x!tpu.dma_semaphore, #tpu.memory_space<semaphore_mem>> -> memref<!tpu.dma_semaphore, #tpu.memory_space<semaphore_mem>>
      tpu.enqueue_indirect_dma source(%dma_start3A_729 : memref<100000x128xf32, #tpu.memory_space<hbm>>) target(%dma_start3A_725 : memref<128x128xf32, #tpu.memory_space<vmem>>) offsets(%dma_start3A_726 : memref<128xi32, #tpu.memory_space<vmem>>) semaphore(%dma_start3A_731 : memref<!tpu.dma_semaphore, #tpu.memory_space<semaphore_mem>>)
      %dma_wait3A_732 = arith.constant 1 : i32
      %dma_wait3A_733 = arith.constant 1 : i32
      %dma_wait3A_734 = arith.constant 0 : i32
      %dma_wait3A_735 = arith.constant 0 : i32
      %dma_wait3A_736 = tpu.memref_slice %arg6[%dma_wait3A_732, %dma_wait3A_734, %dma_wait3A_735] : memref<5x128x128xf32, #tpu.memory_space<vmem>> -> memref<1x128x128xf32, #tpu.memory_space<vmem>>
      %dma_wait3A_737 = tpu.memref_squeeze %dma_wait3A_736 : memref<1x128x128xf32, #tpu.memory_space<vmem>> -> memref<128x128xf32, #tpu.memory_space<vmem>>
      %dma_wait3A_738 = arith.constant 0 : i32
      %dma_wait3A_739 = arith.constant 0 : i32
      %dma_wait3A_740 = tpu.memref_slice %arg3[%dma_wait3A_738, %dma_wait3A_739] : memref<100000x128xf32, #tpu.memory_space<hbm>> -> memref<128x128xf32, #tpu.memory_space<hbm>>
      %dma_wait3A_741 = tpu.memref_slice %arg7[%dma_wait3A_733] : memref<5x!tpu.dma_semaphore, #tpu.memory_space<semaphore_mem>> -> memref<1x!tpu.dma_semaphore, #tpu.memory_space<semaphore_mem>>
      %dma_wait3A_742 = tpu.memref_squeeze %dma_wait3A_741 : memref<1x!tpu.dma_semaphore, #tpu.memory_space<semaphore_mem>> -> memref<!tpu.dma_semaphore, #tpu.memory_space<semaphore_mem>>
      %dma_wait3A_743 = arith.constant 0 : i32
      %dma_wait3A_744 = arith.constant 0 : i32
      %dma_wait3A_745 = tpu.memref_slice %arg6[%dma_wait3A_732, %dma_wait3A_743, %dma_wait3A_744] : memref<5x128x128xf32, #tpu.memory_space<vmem>> -> memref<1x128x128xf32, #tpu.memory_space<vmem>>
      %dma_wait3A_746 = tpu.memref_squeeze %dma_wait3A_745 : memref<1x128x128xf32, #tpu.memory_space<vmem>> -> memref<128x128xf32, #tpu.memory_space<vmem>>
      %dma_wait3A_747 = arith.constant 0 : i32
      %dma_wait3A_748 = arith.constant 0 : i32
      %dma_wait3A_749 = tpu.memref_slice %arg3[%dma_wait3A_747, %dma_wait3A_748] : memref<100000x128xf32, #tpu.memory_space<hbm>> -> memref<128x128xf32, #tpu.memory_space<hbm>>
      tpu.wait_dma2 semaphore(%dma_wait3A_742 : memref<!tpu.dma_semaphore, #tpu.memory_space<semaphore_mem>>) src(%dma_wait3A_749 : memref<128x128xf32, #tpu.memory_space<hbm>>) dst(%dma_wait3A_746 : memref<128x128xf32, #tpu.memory_space<vmem>>)
      %add3A_750 = arith.constant 1 : i32
      %add3A_751 = arith.addi %mul3A_658, %add3A_750 : i32
      %mul3A_752 = arith.constant 128 : i32
      %mul3A_753 = arith.muli %add3A_751, %mul3A_752 : i32
      %add3A_754 = arith.addi %mul3A_2, %mul3A_753 : i32
      %dma_start3A_755 = arith.constant 1 : i32
      %dma_start3A_756 = arith.constant 1 : i32
      %dma_start3A_757 = arith.constant 0 : i32
      %dma_start3A_758 = arith.constant 0 : i32
      %dma_start3A_759 = tpu.memref_slice %arg6[%dma_start3A_755, %dma_start3A_757, %dma_start3A_758] : memref<5x128x128xf32, #tpu.memory_space<vmem>> -> memref<1x128x128xf32, #tpu.memory_space<vmem>>
      %dma_start3A_760 = tpu.memref_squeeze %dma_start3A_759 : memref<1x128x128xf32, #tpu.memory_space<vmem>> -> memref<128x128xf32, #tpu.memory_space<vmem>>
      %dma_start3A_761 = arith.constant 0 : i32
      %dma_start3A_762 = tpu.memref_slice %arg4[%add3A_754, %dma_start3A_761] : memref<204800x128xf32, #tpu.memory_space<hbm>> -> memref<128x128xf32, #tpu.memory_space<hbm>>
      %dma_start3A_763 = tpu.memref_slice %arg8[%dma_start3A_756] : memref<5x!tpu.dma_semaphore, #tpu.memory_space<semaphore_mem>> -> memref<1x!tpu.dma_semaphore, #tpu.memory_space<semaphore_mem>>
      %dma_start3A_764 = tpu.memref_squeeze %dma_start3A_763 : memref<1x!tpu.dma_semaphore, #tpu.memory_space<semaphore_mem>> -> memref<!tpu.dma_semaphore, #tpu.memory_space<semaphore_mem>>
      %dma_start3A_765 = arith.constant 0 : i32
      %dma_start3A_766 = tpu.memref_slice %arg4[%add3A_754, %dma_start3A_765] : memref<204800x128xf32, #tpu.memory_space<hbm>> -> memref<128x128xf32, #tpu.memory_space<hbm>>
      %dma_start3A_767 = arith.constant 0 : i32
      %dma_start3A_768 = arith.constant 0 : i32
      %dma_start3A_769 = tpu.memref_slice %arg6[%dma_start3A_755, %dma_start3A_767, %dma_start3A_768] : memref<5x128x128xf32, #tpu.memory_space<vmem>> -> memref<1x128x128xf32, #tpu.memory_space<vmem>>
      %dma_start3A_770 = tpu.memref_squeeze %dma_start3A_769 : memref<1x128x128xf32, #tpu.memory_space<vmem>> -> memref<128x128xf32, #tpu.memory_space<vmem>>
      tpu.enqueue_dma source(%dma_start3A_770 : memref<128x128xf32, #tpu.memory_space<vmem>>) target(%dma_start3A_766 : memref<128x128xf32, #tpu.memory_space<hbm>>) target_semaphore(%dma_start3A_764 : memref<!tpu.dma_semaphore, #tpu.memory_space<semaphore_mem>>)
      %dma_wait3A_771 = arith.constant 4 : i32
      %dma_wait3A_772 = arith.constant 4 : i32
      %dma_wait3A_773 = arith.constant 0 : i32
      %dma_wait3A_774 = arith.constant 0 : i32
      %dma_wait3A_775 = tpu.memref_slice %arg6[%dma_wait3A_771, %dma_wait3A_773, %dma_wait3A_774] : memref<5x128x128xf32, #tpu.memory_space<vmem>> -> memref<1x128x128xf32, #tpu.memory_space<vmem>>
      %dma_wait3A_776 = tpu.memref_squeeze %dma_wait3A_775 : memref<1x128x128xf32, #tpu.memory_space<vmem>> -> memref<128x128xf32, #tpu.memory_space<vmem>>
      %dma_wait3A_777 = arith.constant 0 : i32
      %dma_wait3A_778 = tpu.memref_slice %arg4[%mul3A_2, %dma_wait3A_777] : memref<204800x128xf32, #tpu.memory_space<hbm>> -> memref<128x128xf32, #tpu.memory_space<hbm>>
      %dma_wait3A_779 = tpu.memref_slice %arg8[%dma_wait3A_772] : memref<5x!tpu.dma_semaphore, #tpu.memory_space<semaphore_mem>> -> memref<1x!tpu.dma_semaphore, #tpu.memory_space<semaphore_mem>>
      %dma_wait3A_780 = tpu.memref_squeeze %dma_wait3A_779 : memref<1x!tpu.dma_semaphore, #tpu.memory_space<semaphore_mem>> -> memref<!tpu.dma_semaphore, #tpu.memory_space<semaphore_mem>>
      %dma_wait3A_781 = arith.constant 0 : i32
      %dma_wait3A_782 = tpu.memref_slice %arg4[%mul3A_2, %dma_wait3A_781] : memref<204800x128xf32, #tpu.memory_space<hbm>> -> memref<128x128xf32, #tpu.memory_space<hbm>>
      %dma_wait3A_783 = arith.constant 0 : i32
      %dma_wait3A_784 = arith.constant 0 : i32
      %dma_wait3A_785 = tpu.memref_slice %arg6[%dma_wait3A_771, %dma_wait3A_783, %dma_wait3A_784] : memref<5x128x128xf32, #tpu.memory_space<vmem>> -> memref<1x128x128xf32, #tpu.memory_space<vmem>>
      %dma_wait3A_786 = tpu.memref_squeeze %dma_wait3A_785 : memref<1x128x128xf32, #tpu.memory_space<vmem>> -> memref<128x128xf32, #tpu.memory_space<vmem>>
      tpu.wait_dma2 semaphore(%dma_wait3A_780 : memref<!tpu.dma_semaphore, #tpu.memory_space<semaphore_mem>>) src(%dma_wait3A_786 : memref<128x128xf32, #tpu.memory_space<vmem>>) dst(%dma_wait3A_782 : memref<128x128xf32, #tpu.memory_space<hbm>>)
      %add3A_787 = arith.constant 1 : i32
      %add3A_788 = arith.addi %mul3A_658, %add3A_787 : i32
      %add3A_789 = arith.constant 3 : i32
      %add3A_790 = arith.addi %add3A_788, %add3A_789 : i32
      %mul3A_791 = arith.constant 128 : i32
      %mul3A_792 = arith.muli %add3A_790, %mul3A_791 : i32
      %dma_start3A_793 = arith.constant 4 : i32
      %dma_start3A_794 = arith.constant 4 : i32
      %dma_start3A_795 = arith.constant 0 : i32
      %dma_start3A_796 = arith.constant 0 : i32
      %dma_start3A_797 = tpu.memref_slice %arg6[%dma_start3A_793, %dma_start3A_795, %dma_start3A_796] : memref<5x128x128xf32, #tpu.memory_space<vmem>> -> memref<1x128x128xf32, #tpu.memory_space<vmem>>
      %dma_start3A_798 = tpu.memref_squeeze %dma_start3A_797 : memref<1x128x128xf32, #tpu.memory_space<vmem>> -> memref<128x128xf32, #tpu.memory_space<vmem>>
      %dma_start3A_799 = tpu.memref_slice %arg5[%mul3A_792] : memref<6400xi32, #tpu.memory_space<vmem>> -> memref<128xi32, #tpu.memory_space<vmem>>
      %dma_start3A_800 = arith.constant 0 : i32
      %dma_start3A_801 = arith.constant 0 : i32
      %dma_start3A_802 = tpu.memref_slice %arg3[%dma_start3A_800, %dma_start3A_801] : memref<100000x128xf32, #tpu.memory_space<hbm>> -> memref<100000x128xf32, #tpu.memory_space<hbm>>
      %dma_start3A_803 = tpu.memref_slice %arg7[%dma_start3A_794] : memref<5x!tpu.dma_semaphore, #tpu.memory_space<semaphore_mem>> -> memref<1x!tpu.dma_semaphore, #tpu.memory_space<semaphore_mem>>
      %dma_start3A_804 = tpu.memref_squeeze %dma_start3A_803 : memref<1x!tpu.dma_semaphore, #tpu.memory_space<semaphore_mem>> -> memref<!tpu.dma_semaphore, #tpu.memory_space<semaphore_mem>>
      tpu.enqueue_indirect_dma source(%dma_start3A_802 : memref<100000x128xf32, #tpu.memory_space<hbm>>) target(%dma_start3A_798 : memref<128x128xf32, #tpu.memory_space<vmem>>) offsets(%dma_start3A_799 : memref<128xi32, #tpu.memory_space<vmem>>) semaphore(%dma_start3A_804 : memref<!tpu.dma_semaphore, #tpu.memory_space<semaphore_mem>>)
      %dma_wait3A_805 = arith.constant 2 : i32
      %dma_wait3A_806 = arith.constant 2 : i32
      %dma_wait3A_807 = arith.constant 0 : i32
      %dma_wait3A_808 = arith.constant 0 : i32
      %dma_wait3A_809 = tpu.memref_slice %arg6[%dma_wait3A_805, %dma_wait3A_807, %dma_wait3A_808] : memref<5x128x128xf32, #tpu.memory_space<vmem>> -> memref<1x128x128xf32, #tpu.memory_space<vmem>>
      %dma_wait3A_810 = tpu.memref_squeeze %dma_wait3A_809 : memref<1x128x128xf32, #tpu.memory_space<vmem>> -> memref<128x128xf32, #tpu.memory_space<vmem>>
      %dma_wait3A_811 = arith.constant 0 : i32
      %dma_wait3A_812 = arith.constant 0 : i32
      %dma_wait3A_813 = tpu.memref_slice %arg3[%dma_wait3A_811, %dma_wait3A_812] : memref<100000x128xf32, #tpu.memory_space<hbm>> -> memref<128x128xf32, #tpu.memory_space<hbm>>
      %dma_wait3A_814 = tpu.memref_slice %arg7[%dma_wait3A_806] : memref<5x!tpu.dma_semaphore, #tpu.memory_space<semaphore_mem>> -> memref<1x!tpu.dma_semaphore, #tpu.memory_space<semaphore_mem>>
      %dma_wait3A_815 = tpu.memref_squeeze %dma_wait3A_814 : memref<1x!tpu.dma_semaphore, #tpu.memory_space<semaphore_mem>> -> memref<!tpu.dma_semaphore, #tpu.memory_space<semaphore_mem>>
      %dma_wait3A_816 = arith.constant 0 : i32
      %dma_wait3A_817 = arith.constant 0 : i32
      %dma_wait3A_818 = tpu.memref_slice %arg6[%dma_wait3A_805, %dma_wait3A_816, %dma_wait3A_817] : memref<5x128x128xf32, #tpu.memory_space<vmem>> -> memref<1x128x128xf32, #tpu.memory_space<vmem>>
      %dma_wait3A_819 = tpu.memref_squeeze %dma_wait3A_818 : memref<1x128x128xf32, #tpu.memory_space<vmem>> -> memref<128x128xf32, #tpu.memory_space<vmem>>
      %dma_wait3A_820 = arith.constant 0 : i32
      %dma_wait3A_821 = arith.constant 0 : i32
      %dma_wait3A_822 = tpu.memref_slice %arg3[%dma_wait3A_820, %dma_wait3A_821] : memref<100000x128xf32, #tpu.memory_space<hbm>> -> memref<128x128xf32, #tpu.memory_space<hbm>>
      tpu.wait_dma2 semaphore(%dma_wait3A_815 : memref<!tpu.dma_semaphore, #tpu.memory_space<semaphore_mem>>) src(%dma_wait3A_822 : memref<128x128xf32, #tpu.memory_space<hbm>>) dst(%dma_wait3A_819 : memref<128x128xf32, #tpu.memory_space<vmem>>)
      %add3A_823 = arith.constant 2 : i32
      %add3A_824 = arith.addi %mul3A_658, %add3A_823 : i32
      %mul3A_825 = arith.constant 128 : i32
      %mul3A_826 = arith.muli %add3A_824, %mul3A_825 : i32
      %add3A_827 = arith.addi %mul3A_2, %mul3A_826 : i32
      %dma_start3A_828 = arith.constant 2 : i32
      %dma_start3A_829 = arith.constant 2 : i32
      %dma_start3A_830 = arith.constant 0 : i32
      %dma_start3A_831 = arith.constant 0 : i32
      %dma_start3A_832 = tpu.memref_slice %arg6[%dma_start3A_828, %dma_start3A_830, %dma_start3A_831] : memref<5x128x128xf32, #tpu.memory_space<vmem>> -> memref<1x128x128xf32, #tpu.memory_space<vmem>>
      %dma_start3A_833 = tpu.memref_squeeze %dma_start3A_832 : memref<1x128x128xf32, #tpu.memory_space<vmem>> -> memref<128x128xf32, #tpu.memory_space<vmem>>
      %dma_start3A_834 = arith.constant 0 : i32
      %dma_start3A_835 = tpu.memref_slice %arg4[%add3A_827, %dma_start3A_834] : memref<204800x128xf32, #tpu.memory_space<hbm>> -> memref<128x128xf32, #tpu.memory_space<hbm>>
      %dma_start3A_836 = tpu.memref_slice %arg8[%dma_start3A_829] : memref<5x!tpu.dma_semaphore, #tpu.memory_space<semaphore_mem>> -> memref<1x!tpu.dma_semaphore, #tpu.memory_space<semaphore_mem>>
      %dma_start3A_837 = tpu.memref_squeeze %dma_start3A_836 : memref<1x!tpu.dma_semaphore, #tpu.memory_space<semaphore_mem>> -> memref<!tpu.dma_semaphore, #tpu.memory_space<semaphore_mem>>
      %dma_start3A_838 = arith.constant 0 : i32
      %dma_start3A_839 = tpu.memref_slice %arg4[%add3A_827, %dma_start3A_838] : memref<204800x128xf32, #tpu.memory_space<hbm>> -> memref<128x128xf32, #tpu.memory_space<hbm>>
      %dma_start3A_840 = arith.constant 0 : i32
      %dma_start3A_841 = arith.constant 0 : i32
      %dma_start3A_842 = tpu.memref_slice %arg6[%dma_start3A_828, %dma_start3A_840, %dma_start3A_841] : memref<5x128x128xf32, #tpu.memory_space<vmem>> -> memref<1x128x128xf32, #tpu.memory_space<vmem>>
      %dma_start3A_843 = tpu.memref_squeeze %dma_start3A_842 : memref<1x128x128xf32, #tpu.memory_space<vmem>> -> memref<128x128xf32, #tpu.memory_space<vmem>>
      tpu.enqueue_dma source(%dma_start3A_843 : memref<128x128xf32, #tpu.memory_space<vmem>>) target(%dma_start3A_839 : memref<128x128xf32, #tpu.memory_space<hbm>>) target_semaphore(%dma_start3A_837 : memref<!tpu.dma_semaphore, #tpu.memory_space<semaphore_mem>>)
      %dma_wait3A_844 = arith.constant 0 : i32
      %dma_wait3A_845 = arith.constant 0 : i32
      %dma_wait3A_846 = arith.constant 0 : i32
      %dma_wait3A_847 = arith.constant 0 : i32
      %dma_wait3A_848 = tpu.memref_slice %arg6[%dma_wait3A_844, %dma_wait3A_846, %dma_wait3A_847] : memref<5x128x128xf32, #tpu.memory_space<vmem>> -> memref<1x128x128xf32, #tpu.memory_space<vmem>>
      %dma_wait3A_849 = tpu.memref_squeeze %dma_wait3A_848 : memref<1x128x128xf32, #tpu.memory_space<vmem>> -> memref<128x128xf32, #tpu.memory_space<vmem>>
      %dma_wait3A_850 = arith.constant 0 : i32
      %dma_wait3A_851 = tpu.memref_slice %arg4[%mul3A_2, %dma_wait3A_850] : memref<204800x128xf32, #tpu.memory_space<hbm>> -> memref<128x128xf32, #tpu.memory_space<hbm>>
      %dma_wait3A_852 = tpu.memref_slice %arg8[%dma_wait3A_845] : memref<5x!tpu.dma_semaphore, #tpu.memory_space<semaphore_mem>> -> memref<1x!tpu.dma_semaphore, #tpu.memory_space<semaphore_mem>>
      %dma_wait3A_853 = tpu.memref_squeeze %dma_wait3A_852 : memref<1x!tpu.dma_semaphore, #tpu.memory_space<semaphore_mem>> -> memref<!tpu.dma_semaphore, #tpu.memory_space<semaphore_mem>>
      %dma_wait3A_854 = arith.constant 0 : i32
      %dma_wait3A_855 = tpu.memref_slice %arg4[%mul3A_2, %dma_wait3A_854] : memref<204800x128xf32, #tpu.memory_space<hbm>> -> memref<128x128xf32, #tpu.memory_space<hbm>>
      %dma_wait3A_856 = arith.constant 0 : i32
      %dma_wait3A_857 = arith.constant 0 : i32
      %dma_wait3A_858 = tpu.memref_slice %arg6[%dma_wait3A_844, %dma_wait3A_856, %dma_wait3A_857] : memref<5x128x128xf32, #tpu.memory_space<vmem>> -> memref<1x128x128xf32, #tpu.memory_space<vmem>>
      %dma_wait3A_859 = tpu.memref_squeeze %dma_wait3A_858 : memref<1x128x128xf32, #tpu.memory_space<vmem>> -> memref<128x128xf32, #tpu.memory_space<vmem>>
      tpu.wait_dma2 semaphore(%dma_wait3A_853 : memref<!tpu.dma_semaphore, #tpu.memory_space<semaphore_mem>>) src(%dma_wait3A_859 : memref<128x128xf32, #tpu.memory_space<vmem>>) dst(%dma_wait3A_855 : memref<128x128xf32, #tpu.memory_space<hbm>>)
      %add3A_860 = arith.constant 2 : i32
      %add3A_861 = arith.addi %mul3A_658, %add3A_860 : i32
      %add3A_862 = arith.constant 3 : i32
      %add3A_863 = arith.addi %add3A_861, %add3A_862 : i32
      %mul3A_864 = arith.constant 128 : i32
      %mul3A_865 = arith.muli %add3A_863, %mul3A_864 : i32
      %dma_start3A_866 = arith.constant 0 : i32
      %dma_start3A_867 = arith.constant 0 : i32
      %dma_start3A_868 = arith.constant 0 : i32
      %dma_start3A_869 = arith.constant 0 : i32
      %dma_start3A_870 = tpu.memref_slice %arg6[%dma_start3A_866, %dma_start3A_868, %dma_start3A_869] : memref<5x128x128xf32, #tpu.memory_space<vmem>> -> memref<1x128x128xf32, #tpu.memory_space<vmem>>
      %dma_start3A_871 = tpu.memref_squeeze %dma_start3A_870 : memref<1x128x128xf32, #tpu.memory_space<vmem>> -> memref<128x128xf32, #tpu.memory_space<vmem>>
      %dma_start3A_872 = tpu.memref_slice %arg5[%mul3A_865] : memref<6400xi32, #tpu.memory_space<vmem>> -> memref<128xi32, #tpu.memory_space<vmem>>
      %dma_start3A_873 = arith.constant 0 : i32
      %dma_start3A_874 = arith.constant 0 : i32
      %dma_start3A_875 = tpu.memref_slice %arg3[%dma_start3A_873, %dma_start3A_874] : memref<100000x128xf32, #tpu.memory_space<hbm>> -> memref<100000x128xf32, #tpu.memory_space<hbm>>
      %dma_start3A_876 = tpu.memref_slice %arg7[%dma_start3A_867] : memref<5x!tpu.dma_semaphore, #tpu.memory_space<semaphore_mem>> -> memref<1x!tpu.dma_semaphore, #tpu.memory_space<semaphore_mem>>
      %dma_start3A_877 = tpu.memref_squeeze %dma_start3A_876 : memref<1x!tpu.dma_semaphore, #tpu.memory_space<semaphore_mem>> -> memref<!tpu.dma_semaphore, #tpu.memory_space<semaphore_mem>>
      tpu.enqueue_indirect_dma source(%dma_start3A_875 : memref<100000x128xf32, #tpu.memory_space<hbm>>) target(%dma_start3A_871 : memref<128x128xf32, #tpu.memory_space<vmem>>) offsets(%dma_start3A_872 : memref<128xi32, #tpu.memory_space<vmem>>) semaphore(%dma_start3A_877 : memref<!tpu.dma_semaphore, #tpu.memory_space<semaphore_mem>>)
      %dma_wait3A_878 = arith.constant 3 : i32
      %dma_wait3A_879 = arith.constant 3 : i32
      %dma_wait3A_880 = arith.constant 0 : i32
      %dma_wait3A_881 = arith.constant 0 : i32
      %dma_wait3A_882 = tpu.memref_slice %arg6[%dma_wait3A_878, %dma_wait3A_880, %dma_wait3A_881] : memref<5x128x128xf32, #tpu.memory_space<vmem>> -> memref<1x128x128xf32, #tpu.memory_space<vmem>>
      %dma_wait3A_883 = tpu.memref_squeeze %dma_wait3A_882 : memref<1x128x128xf32, #tpu.memory_space<vmem>> -> memref<128x128xf32, #tpu.memory_space<vmem>>
      %dma_wait3A_884 = arith.constant 0 : i32
      %dma_wait3A_885 = arith.constant 0 : i32
      %dma_wait3A_886 = tpu.memref_slice %arg3[%dma_wait3A_884, %dma_wait3A_885] : memref<100000x128xf32, #tpu.memory_space<hbm>> -> memref<128x128xf32, #tpu.memory_space<hbm>>
      %dma_wait3A_887 = tpu.memref_slice %arg7[%dma_wait3A_879] : memref<5x!tpu.dma_semaphore, #tpu.memory_space<semaphore_mem>> -> memref<1x!tpu.dma_semaphore, #tpu.memory_space<semaphore_mem>>
      %dma_wait3A_888 = tpu.memref_squeeze %dma_wait3A_887 : memref<1x!tpu.dma_semaphore, #tpu.memory_space<semaphore_mem>> -> memref<!tpu.dma_semaphore, #tpu.memory_space<semaphore_mem>>
      %dma_wait3A_889 = arith.constant 0 : i32
      %dma_wait3A_890 = arith.constant 0 : i32
      %dma_wait3A_891 = tpu.memref_slice %arg6[%dma_wait3A_878, %dma_wait3A_889, %dma_wait3A_890] : memref<5x128x128xf32, #tpu.memory_space<vmem>> -> memref<1x128x128xf32, #tpu.memory_space<vmem>>
      %dma_wait3A_892 = tpu.memref_squeeze %dma_wait3A_891 : memref<1x128x128xf32, #tpu.memory_space<vmem>> -> memref<128x128xf32, #tpu.memory_space<vmem>>
      %dma_wait3A_893 = arith.constant 0 : i32
      %dma_wait3A_894 = arith.constant 0 : i32
      %dma_wait3A_895 = tpu.memref_slice %arg3[%dma_wait3A_893, %dma_wait3A_894] : memref<100000x128xf32, #tpu.memory_space<hbm>> -> memref<128x128xf32, #tpu.memory_space<hbm>>
      tpu.wait_dma2 semaphore(%dma_wait3A_888 : memref<!tpu.dma_semaphore, #tpu.memory_space<semaphore_mem>>) src(%dma_wait3A_895 : memref<128x128xf32, #tpu.memory_space<hbm>>) dst(%dma_wait3A_892 : memref<128x128xf32, #tpu.memory_space<vmem>>)
      %add3A_896 = arith.constant 3 : i32
      %add3A_897 = arith.addi %mul3A_658, %add3A_896 : i32
      %mul3A_898 = arith.constant 128 : i32
      %mul3A_899 = arith.muli %add3A_897, %mul3A_898 : i32
      %add3A_900 = arith.addi %mul3A_2, %mul3A_899 : i32
      %dma_start3A_901 = arith.constant 3 : i32
      %dma_start3A_902 = arith.constant 3 : i32
      %dma_start3A_903 = arith.constant 0 : i32
      %dma_start3A_904 = arith.constant 0 : i32
      %dma_start3A_905 = tpu.memref_slice %arg6[%dma_start3A_901, %dma_start3A_903, %dma_start3A_904] : memref<5x128x128xf32, #tpu.memory_space<vmem>> -> memref<1x128x128xf32, #tpu.memory_space<vmem>>
      %dma_start3A_906 = tpu.memref_squeeze %dma_start3A_905 : memref<1x128x128xf32, #tpu.memory_space<vmem>> -> memref<128x128xf32, #tpu.memory_space<vmem>>
      %dma_start3A_907 = arith.constant 0 : i32
      %dma_start3A_908 = tpu.memref_slice %arg4[%add3A_900, %dma_start3A_907] : memref<204800x128xf32, #tpu.memory_space<hbm>> -> memref<128x128xf32, #tpu.memory_space<hbm>>
      %dma_start3A_909 = tpu.memref_slice %arg8[%dma_start3A_902] : memref<5x!tpu.dma_semaphore, #tpu.memory_space<semaphore_mem>> -> memref<1x!tpu.dma_semaphore, #tpu.memory_space<semaphore_mem>>
      %dma_start3A_910 = tpu.memref_squeeze %dma_start3A_909 : memref<1x!tpu.dma_semaphore, #tpu.memory_space<semaphore_mem>> -> memref<!tpu.dma_semaphore, #tpu.memory_space<semaphore_mem>>
      %dma_start3A_911 = arith.constant 0 : i32
      %dma_start3A_912 = tpu.memref_slice %arg4[%add3A_900, %dma_start3A_911] : memref<204800x128xf32, #tpu.memory_space<hbm>> -> memref<128x128xf32, #tpu.memory_space<hbm>>
      %dma_start3A_913 = arith.constant 0 : i32
      %dma_start3A_914 = arith.constant 0 : i32
      %dma_start3A_915 = tpu.memref_slice %arg6[%dma_start3A_901, %dma_start3A_913, %dma_start3A_914] : memref<5x128x128xf32, #tpu.memory_space<vmem>> -> memref<1x128x128xf32, #tpu.memory_space<vmem>>
      %dma_start3A_916 = tpu.memref_squeeze %dma_start3A_915 : memref<1x128x128xf32, #tpu.memory_space<vmem>> -> memref<128x128xf32, #tpu.memory_space<vmem>>
      tpu.enqueue_dma source(%dma_start3A_916 : memref<128x128xf32, #tpu.memory_space<vmem>>) target(%dma_start3A_912 : memref<128x128xf32, #tpu.memory_space<hbm>>) target_semaphore(%dma_start3A_910 : memref<!tpu.dma_semaphore, #tpu.memory_space<semaphore_mem>>)
      %dma_wait3A_917 = arith.constant 1 : i32
      %dma_wait3A_918 = arith.constant 1 : i32
      %dma_wait3A_919 = arith.constant 0 : i32
      %dma_wait3A_920 = arith.constant 0 : i32
      %dma_wait3A_921 = tpu.memref_slice %arg6[%dma_wait3A_917, %dma_wait3A_919, %dma_wait3A_920] : memref<5x128x128xf32, #tpu.memory_space<vmem>> -> memref<1x128x128xf32, #tpu.memory_space<vmem>>
      %dma_wait3A_922 = tpu.memref_squeeze %dma_wait3A_921 : memref<1x128x128xf32, #tpu.memory_space<vmem>> -> memref<128x128xf32, #tpu.memory_space<vmem>>
      %dma_wait3A_923 = arith.constant 0 : i32
      %dma_wait3A_924 = tpu.memref_slice %arg4[%mul3A_2, %dma_wait3A_923] : memref<204800x128xf32, #tpu.memory_space<hbm>> -> memref<128x128xf32, #tpu.memory_space<hbm>>
      %dma_wait3A_925 = tpu.memref_slice %arg8[%dma_wait3A_918] : memref<5x!tpu.dma_semaphore, #tpu.memory_space<semaphore_mem>> -> memref<1x!tpu.dma_semaphore, #tpu.memory_space<semaphore_mem>>
      %dma_wait3A_926 = tpu.memref_squeeze %dma_wait3A_925 : memref<1x!tpu.dma_semaphore, #tpu.memory_space<semaphore_mem>> -> memref<!tpu.dma_semaphore, #tpu.memory_space<semaphore_mem>>
      %dma_wait3A_927 = arith.constant 0 : i32
      %dma_wait3A_928 = tpu.memref_slice %arg4[%mul3A_2, %dma_wait3A_927] : memref<204800x128xf32, #tpu.memory_space<hbm>> -> memref<128x128xf32, #tpu.memory_space<hbm>>
      %dma_wait3A_929 = arith.constant 0 : i32
      %dma_wait3A_930 = arith.constant 0 : i32
      %dma_wait3A_931 = tpu.memref_slice %arg6[%dma_wait3A_917, %dma_wait3A_929, %dma_wait3A_930] : memref<5x128x128xf32, #tpu.memory_space<vmem>> -> memref<1x128x128xf32, #tpu.memory_space<vmem>>
      %dma_wait3A_932 = tpu.memref_squeeze %dma_wait3A_931 : memref<1x128x128xf32, #tpu.memory_space<vmem>> -> memref<128x128xf32, #tpu.memory_space<vmem>>
      tpu.wait_dma2 semaphore(%dma_wait3A_926 : memref<!tpu.dma_semaphore, #tpu.memory_space<semaphore_mem>>) src(%dma_wait3A_932 : memref<128x128xf32, #tpu.memory_space<vmem>>) dst(%dma_wait3A_928 : memref<128x128xf32, #tpu.memory_space<hbm>>)
      %add3A_933 = arith.constant 3 : i32
      %add3A_934 = arith.addi %mul3A_658, %add3A_933 : i32
      %add3A_935 = arith.constant 3 : i32
      %add3A_936 = arith.addi %add3A_934, %add3A_935 : i32
      %mul3A_937 = arith.constant 128 : i32
      %mul3A_938 = arith.muli %add3A_936, %mul3A_937 : i32
      %dma_start3A_939 = arith.constant 1 : i32
      %dma_start3A_940 = arith.constant 1 : i32
      %dma_start3A_941 = arith.constant 0 : i32
      %dma_start3A_942 = arith.constant 0 : i32
      %dma_start3A_943 = tpu.memref_slice %arg6[%dma_start3A_939, %dma_start3A_941, %dma_start3A_942] : memref<5x128x128xf32, #tpu.memory_space<vmem>> -> memref<1x128x128xf32, #tpu.memory_space<vmem>>
      %dma_start3A_944 = tpu.memref_squeeze %dma_start3A_943 : memref<1x128x128xf32, #tpu.memory_space<vmem>> -> memref<128x128xf32, #tpu.memory_space<vmem>>
      %dma_start3A_945 = tpu.memref_slice %arg5[%mul3A_938] : memref<6400xi32, #tpu.memory_space<vmem>> -> memref<128xi32, #tpu.memory_space<vmem>>
      %dma_start3A_946 = arith.constant 0 : i32
      %dma_start3A_947 = arith.constant 0 : i32
      %dma_start3A_948 = tpu.memref_slice %arg3[%dma_start3A_946, %dma_start3A_947] : memref<100000x128xf32, #tpu.memory_space<hbm>> -> memref<100000x128xf32, #tpu.memory_space<hbm>>
      %dma_start3A_949 = tpu.memref_slice %arg7[%dma_start3A_940] : memref<5x!tpu.dma_semaphore, #tpu.memory_space<semaphore_mem>> -> memref<1x!tpu.dma_semaphore, #tpu.memory_space<semaphore_mem>>
      %dma_start3A_950 = tpu.memref_squeeze %dma_start3A_949 : memref<1x!tpu.dma_semaphore, #tpu.memory_space<semaphore_mem>> -> memref<!tpu.dma_semaphore, #tpu.memory_space<semaphore_mem>>
      tpu.enqueue_indirect_dma source(%dma_start3A_948 : memref<100000x128xf32, #tpu.memory_space<hbm>>) target(%dma_start3A_944 : memref<128x128xf32, #tpu.memory_space<vmem>>) offsets(%dma_start3A_945 : memref<128xi32, #tpu.memory_space<vmem>>) semaphore(%dma_start3A_950 : memref<!tpu.dma_semaphore, #tpu.memory_space<semaphore_mem>>)
      %dma_wait3A_951 = arith.constant 4 : i32
      %dma_wait3A_952 = arith.constant 4 : i32
      %dma_wait3A_953 = arith.constant 0 : i32
      %dma_wait3A_954 = arith.constant 0 : i32
      %dma_wait3A_955 = tpu.memref_slice %arg6[%dma_wait3A_951, %dma_wait3A_953, %dma_wait3A_954] : memref<5x128x128xf32, #tpu.memory_space<vmem>> -> memref<1x128x128xf32, #tpu.memory_space<vmem>>
      %dma_wait3A_956 = tpu.memref_squeeze %dma_wait3A_955 : memref<1x128x128xf32, #tpu.memory_space<vmem>> -> memref<128x128xf32, #tpu.memory_space<vmem>>
      %dma_wait3A_957 = arith.constant 0 : i32
      %dma_wait3A_958 = arith.constant 0 : i32
      %dma_wait3A_959 = tpu.memref_slice %arg3[%dma_wait3A_957, %dma_wait3A_958] : memref<100000x128xf32, #tpu.memory_space<hbm>> -> memref<128x128xf32, #tpu.memory_space<hbm>>
      %dma_wait3A_960 = tpu.memref_slice %arg7[%dma_wait3A_952] : memref<5x!tpu.dma_semaphore, #tpu.memory_space<semaphore_mem>> -> memref<1x!tpu.dma_semaphore, #tpu.memory_space<semaphore_mem>>
      %dma_wait3A_961 = tpu.memref_squeeze %dma_wait3A_960 : memref<1x!tpu.dma_semaphore, #tpu.memory_space<semaphore_mem>> -> memref<!tpu.dma_semaphore, #tpu.memory_space<semaphore_mem>>
      %dma_wait3A_962 = arith.constant 0 : i32
      %dma_wait3A_963 = arith.constant 0 : i32
      %dma_wait3A_964 = tpu.memref_slice %arg6[%dma_wait3A_951, %dma_wait3A_962, %dma_wait3A_963] : memref<5x128x128xf32, #tpu.memory_space<vmem>> -> memref<1x128x128xf32, #tpu.memory_space<vmem>>
      %dma_wait3A_965 = tpu.memref_squeeze %dma_wait3A_964 : memref<1x128x128xf32, #tpu.memory_space<vmem>> -> memref<128x128xf32, #tpu.memory_space<vmem>>
      %dma_wait3A_966 = arith.constant 0 : i32
      %dma_wait3A_967 = arith.constant 0 : i32
      %dma_wait3A_968 = tpu.memref_slice %arg3[%dma_wait3A_966, %dma_wait3A_967] : memref<100000x128xf32, #tpu.memory_space<hbm>> -> memref<128x128xf32, #tpu.memory_space<hbm>>
      tpu.wait_dma2 semaphore(%dma_wait3A_961 : memref<!tpu.dma_semaphore, #tpu.memory_space<semaphore_mem>>) src(%dma_wait3A_968 : memref<128x128xf32, #tpu.memory_space<hbm>>) dst(%dma_wait3A_965 : memref<128x128xf32, #tpu.memory_space<vmem>>)
      %add3A_969 = arith.constant 4 : i32
      %add3A_970 = arith.addi %mul3A_658, %add3A_969 : i32
      %mul3A_971 = arith.constant 128 : i32
      %mul3A_972 = arith.muli %add3A_970, %mul3A_971 : i32
      %add3A_973 = arith.addi %mul3A_2, %mul3A_972 : i32
      %dma_start3A_974 = arith.constant 4 : i32
      %dma_start3A_975 = arith.constant 4 : i32
      %dma_start3A_976 = arith.constant 0 : i32
      %dma_start3A_977 = arith.constant 0 : i32
      %dma_start3A_978 = tpu.memref_slice %arg6[%dma_start3A_974, %dma_start3A_976, %dma_start3A_977] : memref<5x128x128xf32, #tpu.memory_space<vmem>> -> memref<1x128x128xf32, #tpu.memory_space<vmem>>
      %dma_start3A_979 = tpu.memref_squeeze %dma_start3A_978 : memref<1x128x128xf32, #tpu.memory_space<vmem>> -> memref<128x128xf32, #tpu.memory_space<vmem>>
      %dma_start3A_980 = arith.constant 0 : i32
      %dma_start3A_981 = tpu.memref_slice %arg4[%add3A_973, %dma_start3A_980] : memref<204800x128xf32, #tpu.memory_space<hbm>> -> memref<128x128xf32, #tpu.memory_space<hbm>>
      %dma_start3A_982 = tpu.memref_slice %arg8[%dma_start3A_975] : memref<5x!tpu.dma_semaphore, #tpu.memory_space<semaphore_mem>> -> memref<1x!tpu.dma_semaphore, #tpu.memory_space<semaphore_mem>>
      %dma_start3A_983 = tpu.memref_squeeze %dma_start3A_982 : memref<1x!tpu.dma_semaphore, #tpu.memory_space<semaphore_mem>> -> memref<!tpu.dma_semaphore, #tpu.memory_space<semaphore_mem>>
      %dma_start3A_984 = arith.constant 0 : i32
      %dma_start3A_985 = tpu.memref_slice %arg4[%add3A_973, %dma_start3A_984] : memref<204800x128xf32, #tpu.memory_space<hbm>> -> memref<128x128xf32, #tpu.memory_space<hbm>>
      %dma_start3A_986 = arith.constant 0 : i32
      %dma_start3A_987 = arith.constant 0 : i32
      %dma_start3A_988 = tpu.memref_slice %arg6[%dma_start3A_974, %dma_start3A_986, %dma_start3A_987] : memref<5x128x128xf32, #tpu.memory_space<vmem>> -> memref<1x128x128xf32, #tpu.memory_space<vmem>>
      %dma_start3A_989 = tpu.memref_squeeze %dma_start3A_988 : memref<1x128x128xf32, #tpu.memory_space<vmem>> -> memref<128x128xf32, #tpu.memory_space<vmem>>
      tpu.enqueue_dma source(%dma_start3A_989 : memref<128x128xf32, #tpu.memory_space<vmem>>) target(%dma_start3A_985 : memref<128x128xf32, #tpu.memory_space<hbm>>) target_semaphore(%dma_start3A_983 : memref<!tpu.dma_semaphore, #tpu.memory_space<semaphore_mem>>)
      %dma_wait3A_990 = arith.constant 2 : i32
      %dma_wait3A_991 = arith.constant 2 : i32
      %dma_wait3A_992 = arith.constant 0 : i32
      %dma_wait3A_993 = arith.constant 0 : i32
      %dma_wait3A_994 = tpu.memref_slice %arg6[%dma_wait3A_990, %dma_wait3A_992, %dma_wait3A_993] : memref<5x128x128xf32, #tpu.memory_space<vmem>> -> memref<1x128x128xf32, #tpu.memory_space<vmem>>
      %dma_wait3A_995 = tpu.memref_squeeze %dma_wait3A_994 : memref<1x128x128xf32, #tpu.memory_space<vmem>> -> memref<128x128xf32, #tpu.memory_space<vmem>>
      %dma_wait3A_996 = arith.constant 0 : i32
      %dma_wait3A_997 = tpu.memref_slice %arg4[%mul3A_2, %dma_wait3A_996] : memref<204800x128xf32, #tpu.memory_space<hbm>> -> memref<128x128xf32, #tpu.memory_space<hbm>>
      %dma_wait3A_998 = tpu.memref_slice %arg8[%dma_wait3A_991] : memref<5x!tpu.dma_semaphore, #tpu.memory_space<semaphore_mem>> -> memref<1x!tpu.dma_semaphore, #tpu.memory_space<semaphore_mem>>
      %dma_wait3A_999 = tpu.memref_squeeze %dma_wait3A_998 : memref<1x!tpu.dma_semaphore, #tpu.memory_space<semaphore_mem>> -> memref<!tpu.dma_semaphore, #tpu.memory_space<semaphore_mem>>
      %dma_wait3A_1000 = arith.constant 0 : i32
      %dma_wait3A_1001 = tpu.memref_slice %arg4[%mul3A_2, %dma_wait3A_1000] : memref<204800x128xf32, #tpu.memory_space<hbm>> -> memref<128x128xf32, #tpu.memory_space<hbm>>
      %dma_wait3A_1002 = arith.constant 0 : i32
      %dma_wait3A_1003 = arith.constant 0 : i32
      %dma_wait3A_1004 = tpu.memref_slice %arg6[%dma_wait3A_990, %dma_wait3A_1002, %dma_wait3A_1003] : memref<5x128x128xf32, #tpu.memory_space<vmem>> -> memref<1x128x128xf32, #tpu.memory_space<vmem>>
      %dma_wait3A_1005 = tpu.memref_squeeze %dma_wait3A_1004 : memref<1x128x128xf32, #tpu.memory_space<vmem>> -> memref<128x128xf32, #tpu.memory_space<vmem>>
      tpu.wait_dma2 semaphore(%dma_wait3A_999 : memref<!tpu.dma_semaphore, #tpu.memory_space<semaphore_mem>>) src(%dma_wait3A_1005 : memref<128x128xf32, #tpu.memory_space<vmem>>) dst(%dma_wait3A_1001 : memref<128x128xf32, #tpu.memory_space<hbm>>)
      %add3A_1006 = arith.constant 4 : i32
      %add3A_1007 = arith.addi %mul3A_658, %add3A_1006 : i32
      %add3A_1008 = arith.constant 3 : i32
      %add3A_1009 = arith.addi %add3A_1007, %add3A_1008 : i32
      %mul3A_1010 = arith.constant 128 : i32
      %mul3A_1011 = arith.muli %add3A_1009, %mul3A_1010 : i32
      %dma_start3A_1012 = arith.constant 2 : i32
      %dma_start3A_1013 = arith.constant 2 : i32
      %dma_start3A_1014 = arith.constant 0 : i32
      %dma_start3A_1015 = arith.constant 0 : i32
      %dma_start3A_1016 = tpu.memref_slice %arg6[%dma_start3A_1012, %dma_start3A_1014, %dma_start3A_1015] : memref<5x128x128xf32, #tpu.memory_space<vmem>> -> memref<1x128x128xf32, #tpu.memory_space<vmem>>
      %dma_start3A_1017 = tpu.memref_squeeze %dma_start3A_1016 : memref<1x128x128xf32, #tpu.memory_space<vmem>> -> memref<128x128xf32, #tpu.memory_space<vmem>>
      %dma_start3A_1018 = tpu.memref_slice %arg5[%mul3A_1011] : memref<6400xi32, #tpu.memory_space<vmem>> -> memref<128xi32, #tpu.memory_space<vmem>>
      %dma_start3A_1019 = arith.constant 0 : i32
      %dma_start3A_1020 = arith.constant 0 : i32
      %dma_start3A_1021 = tpu.memref_slice %arg3[%dma_start3A_1019, %dma_start3A_1020] : memref<100000x128xf32, #tpu.memory_space<hbm>> -> memref<100000x128xf32, #tpu.memory_space<hbm>>
      %dma_start3A_1022 = tpu.memref_slice %arg7[%dma_start3A_1013] : memref<5x!tpu.dma_semaphore, #tpu.memory_space<semaphore_mem>> -> memref<1x!tpu.dma_semaphore, #tpu.memory_space<semaphore_mem>>
      %dma_start3A_1023 = tpu.memref_squeeze %dma_start3A_1022 : memref<1x!tpu.dma_semaphore, #tpu.memory_space<semaphore_mem>> -> memref<!tpu.dma_semaphore, #tpu.memory_space<semaphore_mem>>
      tpu.enqueue_indirect_dma source(%dma_start3A_1021 : memref<100000x128xf32, #tpu.memory_space<hbm>>) target(%dma_start3A_1017 : memref<128x128xf32, #tpu.memory_space<vmem>>) offsets(%dma_start3A_1018 : memref<128xi32, #tpu.memory_space<vmem>>) semaphore(%dma_start3A_1023 : memref<!tpu.dma_semaphore, #tpu.memory_space<semaphore_mem>>)
    }
    %scan3A_337 = arith.constant 8 : i32
    %dma_wait3A_338 = arith.constant 0 : i32
    %dma_wait3A_339 = arith.constant 0 : i32
    %dma_wait3A_340 = arith.constant 0 : i32
    %dma_wait3A_341 = arith.constant 0 : i32
    %dma_wait3A_342 = tpu.memref_slice %arg6[%dma_wait3A_338, %dma_wait3A_340, %dma_wait3A_341] : memref<5x128x128xf32, #tpu.memory_space<vmem>> -> memref<1x128x128xf32, #tpu.memory_space<vmem>>
    %dma_wait3A_343 = tpu.memref_squeeze %dma_wait3A_342 : memref<1x128x128xf32, #tpu.memory_space<vmem>> -> memref<128x128xf32, #tpu.memory_space<vmem>>
    %dma_wait3A_344 = arith.constant 0 : i32
    %dma_wait3A_345 = arith.constant 0 : i32
    %dma_wait3A_346 = tpu.memref_slice %arg3[%dma_wait3A_344, %dma_wait3A_345] : memref<100000x128xf32, #tpu.memory_space<hbm>> -> memref<128x128xf32, #tpu.memory_space<hbm>>
    %dma_wait3A_347 = tpu.memref_slice %arg7[%dma_wait3A_339] : memref<5x!tpu.dma_semaphore, #tpu.memory_space<semaphore_mem>> -> memref<1x!tpu.dma_semaphore, #tpu.memory_space<semaphore_mem>>
    %dma_wait3A_348 = tpu.memref_squeeze %dma_wait3A_347 : memref<1x!tpu.dma_semaphore, #tpu.memory_space<semaphore_mem>> -> memref<!tpu.dma_semaphore, #tpu.memory_space<semaphore_mem>>
    %dma_wait3A_349 = arith.constant 0 : i32
    %dma_wait3A_350 = arith.constant 0 : i32
    %dma_wait3A_351 = tpu.memref_slice %arg6[%dma_wait3A_338, %dma_wait3A_349, %dma_wait3A_350] : memref<5x128x128xf32, #tpu.memory_space<vmem>> -> memref<1x128x128xf32, #tpu.memory_space<vmem>>
    %dma_wait3A_352 = tpu.memref_squeeze %dma_wait3A_351 : memref<1x128x128xf32, #tpu.memory_space<vmem>> -> memref<128x128xf32, #tpu.memory_space<vmem>>
    %dma_wait3A_353 = arith.constant 0 : i32
    %dma_wait3A_354 = arith.constant 0 : i32
    %dma_wait3A_355 = tpu.memref_slice %arg3[%dma_wait3A_353, %dma_wait3A_354] : memref<100000x128xf32, #tpu.memory_space<hbm>> -> memref<128x128xf32, #tpu.memory_space<hbm>>
    tpu.wait_dma2 semaphore(%dma_wait3A_348 : memref<!tpu.dma_semaphore, #tpu.memory_space<semaphore_mem>>) src(%dma_wait3A_355 : memref<128x128xf32, #tpu.memory_space<hbm>>) dst(%dma_wait3A_352 : memref<128x128xf32, #tpu.memory_space<vmem>>)
    %add3A_356 = arith.constant 5760 : i32
    %add3A_357 = arith.addi %mul3A_2, %add3A_356 : i32
    %dma_start3A_358 = arith.constant 0 : i32
    %dma_start3A_359 = arith.constant 0 : i32
    %dma_start3A_360 = arith.constant 0 : i32
    %dma_start3A_361 = arith.constant 0 : i32
    %dma_start3A_362 = tpu.memref_slice %arg6[%dma_start3A_358, %dma_start3A_360, %dma_start3A_361] : memref<5x128x128xf32, #tpu.memory_space<vmem>> -> memref<1x128x128xf32, #tpu.memory_space<vmem>>
    %dma_start3A_363 = tpu.memref_squeeze %dma_start3A_362 : memref<1x128x128xf32, #tpu.memory_space<vmem>> -> memref<128x128xf32, #tpu.memory_space<vmem>>
    %dma_start3A_364 = arith.constant 0 : i32
    %dma_start3A_365 = tpu.memref_slice %arg4[%add3A_357, %dma_start3A_364] : memref<204800x128xf32, #tpu.memory_space<hbm>> -> memref<128x128xf32, #tpu.memory_space<hbm>>
    %dma_start3A_366 = tpu.memref_slice %arg8[%dma_start3A_359] : memref<5x!tpu.dma_semaphore, #tpu.memory_space<semaphore_mem>> -> memref<1x!tpu.dma_semaphore, #tpu.memory_space<semaphore_mem>>
    %dma_start3A_367 = tpu.memref_squeeze %dma_start3A_366 : memref<1x!tpu.dma_semaphore, #tpu.memory_space<semaphore_mem>> -> memref<!tpu.dma_semaphore, #tpu.memory_space<semaphore_mem>>
    %dma_start3A_368 = arith.constant 0 : i32
    %dma_start3A_369 = tpu.memref_slice %arg4[%add3A_357, %dma_start3A_368] : memref<204800x128xf32, #tpu.memory_space<hbm>> -> memref<128x128xf32, #tpu.memory_space<hbm>>
    %dma_start3A_370 = arith.constant 0 : i32
    %dma_start3A_371 = arith.constant 0 : i32
    %dma_start3A_372 = tpu.memref_slice %arg6[%dma_start3A_358, %dma_start3A_370, %dma_start3A_371] : memref<5x128x128xf32, #tpu.memory_space<vmem>> -> memref<1x128x128xf32, #tpu.memory_space<vmem>>
    %dma_start3A_373 = tpu.memref_squeeze %dma_start3A_372 : memref<1x128x128xf32, #tpu.memory_space<vmem>> -> memref<128x128xf32, #tpu.memory_space<vmem>>
    tpu.enqueue_dma source(%dma_start3A_373 : memref<128x128xf32, #tpu.memory_space<vmem>>) target(%dma_start3A_369 : memref<128x128xf32, #tpu.memory_space<hbm>>) target_semaphore(%dma_start3A_367 : memref<!tpu.dma_semaphore, #tpu.memory_space<semaphore_mem>>)
    %dma_wait3A_374 = arith.constant 3 : i32
    %dma_wait3A_375 = arith.constant 3 : i32
    %dma_wait3A_376 = arith.constant 0 : i32
    %dma_wait3A_377 = arith.constant 0 : i32
    %dma_wait3A_378 = tpu.memref_slice %arg6[%dma_wait3A_374, %dma_wait3A_376, %dma_wait3A_377] : memref<5x128x128xf32, #tpu.memory_space<vmem>> -> memref<1x128x128xf32, #tpu.memory_space<vmem>>
    %dma_wait3A_379 = tpu.memref_squeeze %dma_wait3A_378 : memref<1x128x128xf32, #tpu.memory_space<vmem>> -> memref<128x128xf32, #tpu.memory_space<vmem>>
    %dma_wait3A_380 = arith.constant 0 : i32
    %dma_wait3A_381 = tpu.memref_slice %arg4[%mul3A_2, %dma_wait3A_380] : memref<204800x128xf32, #tpu.memory_space<hbm>> -> memref<128x128xf32, #tpu.memory_space<hbm>>
    %dma_wait3A_382 = tpu.memref_slice %arg8[%dma_wait3A_375] : memref<5x!tpu.dma_semaphore, #tpu.memory_space<semaphore_mem>> -> memref<1x!tpu.dma_semaphore, #tpu.memory_space<semaphore_mem>>
    %dma_wait3A_383 = tpu.memref_squeeze %dma_wait3A_382 : memref<1x!tpu.dma_semaphore, #tpu.memory_space<semaphore_mem>> -> memref<!tpu.dma_semaphore, #tpu.memory_space<semaphore_mem>>
    %dma_wait3A_384 = arith.constant 0 : i32
    %dma_wait3A_385 = tpu.memref_slice %arg4[%mul3A_2, %dma_wait3A_384] : memref<204800x128xf32, #tpu.memory_space<hbm>> -> memref<128x128xf32, #tpu.memory_space<hbm>>
    %dma_wait3A_386 = arith.constant 0 : i32
    %dma_wait3A_387 = arith.constant 0 : i32
    %dma_wait3A_388 = tpu.memref_slice %arg6[%dma_wait3A_374, %dma_wait3A_386, %dma_wait3A_387] : memref<5x128x128xf32, #tpu.memory_space<vmem>> -> memref<1x128x128xf32, #tpu.memory_space<vmem>>
    %dma_wait3A_389 = tpu.memref_squeeze %dma_wait3A_388 : memref<1x128x128xf32, #tpu.memory_space<vmem>> -> memref<128x128xf32, #tpu.memory_space<vmem>>
    tpu.wait_dma2 semaphore(%dma_wait3A_383 : memref<!tpu.dma_semaphore, #tpu.memory_space<semaphore_mem>>) src(%dma_wait3A_389 : memref<128x128xf32, #tpu.memory_space<vmem>>) dst(%dma_wait3A_385 : memref<128x128xf32, #tpu.memory_space<hbm>>)
    %dma_start3A_390 = arith.constant 3 : i32
    %dma_start3A_391 = arith.constant 3 : i32
    %dma_start3A_392 = arith.constant 0 : i32
    %dma_start3A_393 = arith.constant 0 : i32
    %dma_start3A_394 = tpu.memref_slice %arg6[%dma_start3A_390, %dma_start3A_392, %dma_start3A_393] : memref<5x128x128xf32, #tpu.memory_space<vmem>> -> memref<1x128x128xf32, #tpu.memory_space<vmem>>
    %dma_start3A_395 = tpu.memref_squeeze %dma_start3A_394 : memref<1x128x128xf32, #tpu.memory_space<vmem>> -> memref<128x128xf32, #tpu.memory_space<vmem>>
    %dma_start3A_396 = arith.constant 6144 : i32
    %dma_start3A_397 = tpu.memref_slice %arg5[%dma_start3A_396] : memref<6400xi32, #tpu.memory_space<vmem>> -> memref<128xi32, #tpu.memory_space<vmem>>
    %dma_start3A_398 = arith.constant 0 : i32
    %dma_start3A_399 = arith.constant 0 : i32
    %dma_start3A_400 = tpu.memref_slice %arg3[%dma_start3A_398, %dma_start3A_399] : memref<100000x128xf32, #tpu.memory_space<hbm>> -> memref<100000x128xf32, #tpu.memory_space<hbm>>
    %dma_start3A_401 = tpu.memref_slice %arg7[%dma_start3A_391] : memref<5x!tpu.dma_semaphore, #tpu.memory_space<semaphore_mem>> -> memref<1x!tpu.dma_semaphore, #tpu.memory_space<semaphore_mem>>
    %dma_start3A_402 = tpu.memref_squeeze %dma_start3A_401 : memref<1x!tpu.dma_semaphore, #tpu.memory_space<semaphore_mem>> -> memref<!tpu.dma_semaphore, #tpu.memory_space<semaphore_mem>>
    tpu.enqueue_indirect_dma source(%dma_start3A_400 : memref<100000x128xf32, #tpu.memory_space<hbm>>) target(%dma_start3A_395 : memref<128x128xf32, #tpu.memory_space<vmem>>) offsets(%dma_start3A_397 : memref<128xi32, #tpu.memory_space<vmem>>) semaphore(%dma_start3A_402 : memref<!tpu.dma_semaphore, #tpu.memory_space<semaphore_mem>>)
    %dma_wait3A_403 = arith.constant 1 : i32
    %dma_wait3A_404 = arith.constant 1 : i32
    %dma_wait3A_405 = arith.constant 0 : i32
    %dma_wait3A_406 = arith.constant 0 : i32
    %dma_wait3A_407 = tpu.memref_slice %arg6[%dma_wait3A_403, %dma_wait3A_405, %dma_wait3A_406] : memref<5x128x128xf32, #tpu.memory_space<vmem>> -> memref<1x128x128xf32, #tpu.memory_space<vmem>>
    %dma_wait3A_408 = tpu.memref_squeeze %dma_wait3A_407 : memref<1x128x128xf32, #tpu.memory_space<vmem>> -> memref<128x128xf32, #tpu.memory_space<vmem>>
    %dma_wait3A_409 = arith.constant 0 : i32
    %dma_wait3A_410 = arith.constant 0 : i32
    %dma_wait3A_411 = tpu.memref_slice %arg3[%dma_wait3A_409, %dma_wait3A_410] : memref<100000x128xf32, #tpu.memory_space<hbm>> -> memref<128x128xf32, #tpu.memory_space<hbm>>
    %dma_wait3A_412 = tpu.memref_slice %arg7[%dma_wait3A_404] : memref<5x!tpu.dma_semaphore, #tpu.memory_space<semaphore_mem>> -> memref<1x!tpu.dma_semaphore, #tpu.memory_space<semaphore_mem>>
    %dma_wait3A_413 = tpu.memref_squeeze %dma_wait3A_412 : memref<1x!tpu.dma_semaphore, #tpu.memory_space<semaphore_mem>> -> memref<!tpu.dma_semaphore, #tpu.memory_space<semaphore_mem>>
    %dma_wait3A_414 = arith.constant 0 : i32
    %dma_wait3A_415 = arith.constant 0 : i32
    %dma_wait3A_416 = tpu.memref_slice %arg6[%dma_wait3A_403, %dma_wait3A_414, %dma_wait3A_415] : memref<5x128x128xf32, #tpu.memory_space<vmem>> -> memref<1x128x128xf32, #tpu.memory_space<vmem>>
    %dma_wait3A_417 = tpu.memref_squeeze %dma_wait3A_416 : memref<1x128x128xf32, #tpu.memory_space<vmem>> -> memref<128x128xf32, #tpu.memory_space<vmem>>
    %dma_wait3A_418 = arith.constant 0 : i32
    %dma_wait3A_419 = arith.constant 0 : i32
    %dma_wait3A_420 = tpu.memref_slice %arg3[%dma_wait3A_418, %dma_wait3A_419] : memref<100000x128xf32, #tpu.memory_space<hbm>> -> memref<128x128xf32, #tpu.memory_space<hbm>>
    tpu.wait_dma2 semaphore(%dma_wait3A_413 : memref<!tpu.dma_semaphore, #tpu.memory_space<semaphore_mem>>) src(%dma_wait3A_420 : memref<128x128xf32, #tpu.memory_space<hbm>>) dst(%dma_wait3A_417 : memref<128x128xf32, #tpu.memory_space<vmem>>)
    %add3A_421 = arith.constant 5888 : i32
    %add3A_422 = arith.addi %mul3A_2, %add3A_421 : i32
    %dma_start3A_423 = arith.constant 1 : i32
    %dma_start3A_424 = arith.constant 1 : i32
    %dma_start3A_425 = arith.constant 0 : i32
    %dma_start3A_426 = arith.constant 0 : i32
    %dma_start3A_427 = tpu.memref_slice %arg6[%dma_start3A_423, %dma_start3A_425, %dma_start3A_426] : memref<5x128x128xf32, #tpu.memory_space<vmem>> -> memref<1x128x128xf32, #tpu.memory_space<vmem>>
    %dma_start3A_428 = tpu.memref_squeeze %dma_start3A_427 : memref<1x128x128xf32, #tpu.memory_space<vmem>> -> memref<128x128xf32, #tpu.memory_space<vmem>>
    %dma_start3A_429 = arith.constant 0 : i32
    %dma_start3A_430 = tpu.memref_slice %arg4[%add3A_422, %dma_start3A_429] : memref<204800x128xf32, #tpu.memory_space<hbm>> -> memref<128x128xf32, #tpu.memory_space<hbm>>
    %dma_start3A_431 = tpu.memref_slice %arg8[%dma_start3A_424] : memref<5x!tpu.dma_semaphore, #tpu.memory_space<semaphore_mem>> -> memref<1x!tpu.dma_semaphore, #tpu.memory_space<semaphore_mem>>
    %dma_start3A_432 = tpu.memref_squeeze %dma_start3A_431 : memref<1x!tpu.dma_semaphore, #tpu.memory_space<semaphore_mem>> -> memref<!tpu.dma_semaphore, #tpu.memory_space<semaphore_mem>>
    %dma_start3A_433 = arith.constant 0 : i32
    %dma_start3A_434 = tpu.memref_slice %arg4[%add3A_422, %dma_start3A_433] : memref<204800x128xf32, #tpu.memory_space<hbm>> -> memref<128x128xf32, #tpu.memory_space<hbm>>
    %dma_start3A_435 = arith.constant 0 : i32
    %dma_start3A_436 = arith.constant 0 : i32
    %dma_start3A_437 = tpu.memref_slice %arg6[%dma_start3A_423, %dma_start3A_435, %dma_start3A_436] : memref<5x128x128xf32, #tpu.memory_space<vmem>> -> memref<1x128x128xf32, #tpu.memory_space<vmem>>
    %dma_start3A_438 = tpu.memref_squeeze %dma_start3A_437 : memref<1x128x128xf32, #tpu.memory_space<vmem>> -> memref<128x128xf32, #tpu.memory_space<vmem>>
    tpu.enqueue_dma source(%dma_start3A_438 : memref<128x128xf32, #tpu.memory_space<vmem>>) target(%dma_start3A_434 : memref<128x128xf32, #tpu.memory_space<hbm>>) target_semaphore(%dma_start3A_432 : memref<!tpu.dma_semaphore, #tpu.memory_space<semaphore_mem>>)
    %dma_wait3A_439 = arith.constant 4 : i32
    %dma_wait3A_440 = arith.constant 4 : i32
    %dma_wait3A_441 = arith.constant 0 : i32
    %dma_wait3A_442 = arith.constant 0 : i32
    %dma_wait3A_443 = tpu.memref_slice %arg6[%dma_wait3A_439, %dma_wait3A_441, %dma_wait3A_442] : memref<5x128x128xf32, #tpu.memory_space<vmem>> -> memref<1x128x128xf32, #tpu.memory_space<vmem>>
    %dma_wait3A_444 = tpu.memref_squeeze %dma_wait3A_443 : memref<1x128x128xf32, #tpu.memory_space<vmem>> -> memref<128x128xf32, #tpu.memory_space<vmem>>
    %dma_wait3A_445 = arith.constant 0 : i32
    %dma_wait3A_446 = tpu.memref_slice %arg4[%mul3A_2, %dma_wait3A_445] : memref<204800x128xf32, #tpu.memory_space<hbm>> -> memref<128x128xf32, #tpu.memory_space<hbm>>
    %dma_wait3A_447 = tpu.memref_slice %arg8[%dma_wait3A_440] : memref<5x!tpu.dma_semaphore, #tpu.memory_space<semaphore_mem>> -> memref<1x!tpu.dma_semaphore, #tpu.memory_space<semaphore_mem>>
    %dma_wait3A_448 = tpu.memref_squeeze %dma_wait3A_447 : memref<1x!tpu.dma_semaphore, #tpu.memory_space<semaphore_mem>> -> memref<!tpu.dma_semaphore, #tpu.memory_space<semaphore_mem>>
    %dma_wait3A_449 = arith.constant 0 : i32
    %dma_wait3A_450 = tpu.memref_slice %arg4[%mul3A_2, %dma_wait3A_449] : memref<204800x128xf32, #tpu.memory_space<hbm>> -> memref<128x128xf32, #tpu.memory_space<hbm>>
    %dma_wait3A_451 = arith.constant 0 : i32
    %dma_wait3A_452 = arith.constant 0 : i32
    %dma_wait3A_453 = tpu.memref_slice %arg6[%dma_wait3A_439, %dma_wait3A_451, %dma_wait3A_452] : memref<5x128x128xf32, #tpu.memory_space<vmem>> -> memref<1x128x128xf32, #tpu.memory_space<vmem>>
    %dma_wait3A_454 = tpu.memref_squeeze %dma_wait3A_453 : memref<1x128x128xf32, #tpu.memory_space<vmem>> -> memref<128x128xf32, #tpu.memory_space<vmem>>
    tpu.wait_dma2 semaphore(%dma_wait3A_448 : memref<!tpu.dma_semaphore, #tpu.memory_space<semaphore_mem>>) src(%dma_wait3A_454 : memref<128x128xf32, #tpu.memory_space<vmem>>) dst(%dma_wait3A_450 : memref<128x128xf32, #tpu.memory_space<hbm>>)
    %dma_start3A_455 = arith.constant 4 : i32
    %dma_start3A_456 = arith.constant 4 : i32
    %dma_start3A_457 = arith.constant 0 : i32
    %dma_start3A_458 = arith.constant 0 : i32
    %dma_start3A_459 = tpu.memref_slice %arg6[%dma_start3A_455, %dma_start3A_457, %dma_start3A_458] : memref<5x128x128xf32, #tpu.memory_space<vmem>> -> memref<1x128x128xf32, #tpu.memory_space<vmem>>
    %dma_start3A_460 = tpu.memref_squeeze %dma_start3A_459 : memref<1x128x128xf32, #tpu.memory_space<vmem>> -> memref<128x128xf32, #tpu.memory_space<vmem>>
    %dma_start3A_461 = arith.constant 6272 : i32
    %dma_start3A_462 = tpu.memref_slice %arg5[%dma_start3A_461] : memref<6400xi32, #tpu.memory_space<vmem>> -> memref<128xi32, #tpu.memory_space<vmem>>
    %dma_start3A_463 = arith.constant 0 : i32
    %dma_start3A_464 = arith.constant 0 : i32
    %dma_start3A_465 = tpu.memref_slice %arg3[%dma_start3A_463, %dma_start3A_464] : memref<100000x128xf32, #tpu.memory_space<hbm>> -> memref<100000x128xf32, #tpu.memory_space<hbm>>
    %dma_start3A_466 = tpu.memref_slice %arg7[%dma_start3A_456] : memref<5x!tpu.dma_semaphore, #tpu.memory_space<semaphore_mem>> -> memref<1x!tpu.dma_semaphore, #tpu.memory_space<semaphore_mem>>
    %dma_start3A_467 = tpu.memref_squeeze %dma_start3A_466 : memref<1x!tpu.dma_semaphore, #tpu.memory_space<semaphore_mem>> -> memref<!tpu.dma_semaphore, #tpu.memory_space<semaphore_mem>>
    tpu.enqueue_indirect_dma source(%dma_start3A_465 : memref<100000x128xf32, #tpu.memory_space<hbm>>) target(%dma_start3A_460 : memref<128x128xf32, #tpu.memory_space<vmem>>) offsets(%dma_start3A_462 : memref<128xi32, #tpu.memory_space<vmem>>) semaphore(%dma_start3A_467 : memref<!tpu.dma_semaphore, #tpu.memory_space<semaphore_mem>>)
    %dma_wait3A_468 = arith.constant 2 : i32
    %dma_wait3A_469 = arith.constant 2 : i32
    %dma_wait3A_470 = arith.constant 0 : i32
    %dma_wait3A_471 = arith.constant 0 : i32
    %dma_wait3A_472 = tpu.memref_slice %arg6[%dma_wait3A_468, %dma_wait3A_470, %dma_wait3A_471] : memref<5x128x128xf32, #tpu.memory_space<vmem>> -> memref<1x128x128xf32, #tpu.memory_space<vmem>>
    %dma_wait3A_473 = tpu.memref_squeeze %dma_wait3A_472 : memref<1x128x128xf32, #tpu.memory_space<vmem>> -> memref<128x128xf32, #tpu.memory_space<vmem>>
    %dma_wait3A_474 = arith.constant 0 : i32
    %dma_wait3A_475 = arith.constant 0 : i32
    %dma_wait3A_476 = tpu.memref_slice %arg3[%dma_wait3A_474, %dma_wait3A_475] : memref<100000x128xf32, #tpu.memory_space<hbm>> -> memref<128x128xf32, #tpu.memory_space<hbm>>
    %dma_wait3A_477 = tpu.memref_slice %arg7[%dma_wait3A_469] : memref<5x!tpu.dma_semaphore, #tpu.memory_space<semaphore_mem>> -> memref<1x!tpu.dma_semaphore, #tpu.memory_space<semaphore_mem>>
    %dma_wait3A_478 = tpu.memref_squeeze %dma_wait3A_477 : memref<1x!tpu.dma_semaphore, #tpu.memory_space<semaphore_mem>> -> memref<!tpu.dma_semaphore, #tpu.memory_space<semaphore_mem>>
    %dma_wait3A_479 = arith.constant 0 : i32
    %dma_wait3A_480 = arith.constant 0 : i32
    %dma_wait3A_481 = tpu.memref_slice %arg6[%dma_wait3A_468, %dma_wait3A_479, %dma_wait3A_480] : memref<5x128x128xf32, #tpu.memory_space<vmem>> -> memref<1x128x128xf32, #tpu.memory_space<vmem>>
    %dma_wait3A_482 = tpu.memref_squeeze %dma_wait3A_481 : memref<1x128x128xf32, #tpu.memory_space<vmem>> -> memref<128x128xf32, #tpu.memory_space<vmem>>
    %dma_wait3A_483 = arith.constant 0 : i32
    %dma_wait3A_484 = arith.constant 0 : i32
    %dma_wait3A_485 = tpu.memref_slice %arg3[%dma_wait3A_483, %dma_wait3A_484] : memref<100000x128xf32, #tpu.memory_space<hbm>> -> memref<128x128xf32, #tpu.memory_space<hbm>>
    tpu.wait_dma2 semaphore(%dma_wait3A_478 : memref<!tpu.dma_semaphore, #tpu.memory_space<semaphore_mem>>) src(%dma_wait3A_485 : memref<128x128xf32, #tpu.memory_space<hbm>>) dst(%dma_wait3A_482 : memref<128x128xf32, #tpu.memory_space<vmem>>)
    %add3A_486 = arith.constant 6016 : i32
    %add3A_487 = arith.addi %mul3A_2, %add3A_486 : i32
    %dma_start3A_488 = arith.constant 2 : i32
    %dma_start3A_489 = arith.constant 2 : i32
    %dma_start3A_490 = arith.constant 0 : i32
    %dma_start3A_491 = arith.constant 0 : i32
    %dma_start3A_492 = tpu.memref_slice %arg6[%dma_start3A_488, %dma_start3A_490, %dma_start3A_491] : memref<5x128x128xf32, #tpu.memory_space<vmem>> -> memref<1x128x128xf32, #tpu.memory_space<vmem>>
    %dma_start3A_493 = tpu.memref_squeeze %dma_start3A_492 : memref<1x128x128xf32, #tpu.memory_space<vmem>> -> memref<128x128xf32, #tpu.memory_space<vmem>>
    %dma_start3A_494 = arith.constant 0 : i32
    %dma_start3A_495 = tpu.memref_slice %arg4[%add3A_487, %dma_start3A_494] : memref<204800x128xf32, #tpu.memory_space<hbm>> -> memref<128x128xf32, #tpu.memory_space<hbm>>
    %dma_start3A_496 = tpu.memref_slice %arg8[%dma_start3A_489] : memref<5x!tpu.dma_semaphore, #tpu.memory_space<semaphore_mem>> -> memref<1x!tpu.dma_semaphore, #tpu.memory_space<semaphore_mem>>
    %dma_start3A_497 = tpu.memref_squeeze %dma_start3A_496 : memref<1x!tpu.dma_semaphore, #tpu.memory_space<semaphore_mem>> -> memref<!tpu.dma_semaphore, #tpu.memory_space<semaphore_mem>>
    %dma_start3A_498 = arith.constant 0 : i32
    %dma_start3A_499 = tpu.memref_slice %arg4[%add3A_487, %dma_start3A_498] : memref<204800x128xf32, #tpu.memory_space<hbm>> -> memref<128x128xf32, #tpu.memory_space<hbm>>
    %dma_start3A_500 = arith.constant 0 : i32
    %dma_start3A_501 = arith.constant 0 : i32
    %dma_start3A_502 = tpu.memref_slice %arg6[%dma_start3A_488, %dma_start3A_500, %dma_start3A_501] : memref<5x128x128xf32, #tpu.memory_space<vmem>> -> memref<1x128x128xf32, #tpu.memory_space<vmem>>
    %dma_start3A_503 = tpu.memref_squeeze %dma_start3A_502 : memref<1x128x128xf32, #tpu.memory_space<vmem>> -> memref<128x128xf32, #tpu.memory_space<vmem>>
    tpu.enqueue_dma source(%dma_start3A_503 : memref<128x128xf32, #tpu.memory_space<vmem>>) target(%dma_start3A_499 : memref<128x128xf32, #tpu.memory_space<hbm>>) target_semaphore(%dma_start3A_497 : memref<!tpu.dma_semaphore, #tpu.memory_space<semaphore_mem>>)
    %dma_wait3A_504 = arith.constant 3 : i32
    %dma_wait3A_505 = arith.constant 3 : i32
    %dma_wait3A_506 = arith.constant 0 : i32
    %dma_wait3A_507 = arith.constant 0 : i32
    %dma_wait3A_508 = tpu.memref_slice %arg6[%dma_wait3A_504, %dma_wait3A_506, %dma_wait3A_507] : memref<5x128x128xf32, #tpu.memory_space<vmem>> -> memref<1x128x128xf32, #tpu.memory_space<vmem>>
    %dma_wait3A_509 = tpu.memref_squeeze %dma_wait3A_508 : memref<1x128x128xf32, #tpu.memory_space<vmem>> -> memref<128x128xf32, #tpu.memory_space<vmem>>
    %dma_wait3A_510 = arith.constant 0 : i32
    %dma_wait3A_511 = arith.constant 0 : i32
    %dma_wait3A_512 = tpu.memref_slice %arg3[%dma_wait3A_510, %dma_wait3A_511] : memref<100000x128xf32, #tpu.memory_space<hbm>> -> memref<128x128xf32, #tpu.memory_space<hbm>>
    %dma_wait3A_513 = tpu.memref_slice %arg7[%dma_wait3A_505] : memref<5x!tpu.dma_semaphore, #tpu.memory_space<semaphore_mem>> -> memref<1x!tpu.dma_semaphore, #tpu.memory_space<semaphore_mem>>
    %dma_wait3A_514 = tpu.memref_squeeze %dma_wait3A_513 : memref<1x!tpu.dma_semaphore, #tpu.memory_space<semaphore_mem>> -> memref<!tpu.dma_semaphore, #tpu.memory_space<semaphore_mem>>
    %dma_wait3A_515 = arith.constant 0 : i32
    %dma_wait3A_516 = arith.constant 0 : i32
    %dma_wait3A_517 = tpu.memref_slice %arg6[%dma_wait3A_504, %dma_wait3A_515, %dma_wait3A_516] : memref<5x128x128xf32, #tpu.memory_space<vmem>> -> memref<1x128x128xf32, #tpu.memory_space<vmem>>
    %dma_wait3A_518 = tpu.memref_squeeze %dma_wait3A_517 : memref<1x128x128xf32, #tpu.memory_space<vmem>> -> memref<128x128xf32, #tpu.memory_space<vmem>>
    %dma_wait3A_519 = arith.constant 0 : i32
    %dma_wait3A_520 = arith.constant 0 : i32
    %dma_wait3A_521 = tpu.memref_slice %arg3[%dma_wait3A_519, %dma_wait3A_520] : memref<100000x128xf32, #tpu.memory_space<hbm>> -> memref<128x128xf32, #tpu.memory_space<hbm>>
    tpu.wait_dma2 semaphore(%dma_wait3A_514 : memref<!tpu.dma_semaphore, #tpu.memory_space<semaphore_mem>>) src(%dma_wait3A_521 : memref<128x128xf32, #tpu.memory_space<hbm>>) dst(%dma_wait3A_518 : memref<128x128xf32, #tpu.memory_space<vmem>>)
    %add3A_522 = arith.constant 6144 : i32
    %add3A_523 = arith.addi %mul3A_2, %add3A_522 : i32
    %dma_start3A_524 = arith.constant 3 : i32
    %dma_start3A_525 = arith.constant 3 : i32
    %dma_start3A_526 = arith.constant 0 : i32
    %dma_start3A_527 = arith.constant 0 : i32
    %dma_start3A_528 = tpu.memref_slice %arg6[%dma_start3A_524, %dma_start3A_526, %dma_start3A_527] : memref<5x128x128xf32, #tpu.memory_space<vmem>> -> memref<1x128x128xf32, #tpu.memory_space<vmem>>
    %dma_start3A_529 = tpu.memref_squeeze %dma_start3A_528 : memref<1x128x128xf32, #tpu.memory_space<vmem>> -> memref<128x128xf32, #tpu.memory_space<vmem>>
    %dma_start3A_530 = arith.constant 0 : i32
    %dma_start3A_531 = tpu.memref_slice %arg4[%add3A_523, %dma_start3A_530] : memref<204800x128xf32, #tpu.memory_space<hbm>> -> memref<128x128xf32, #tpu.memory_space<hbm>>
    %dma_start3A_532 = tpu.memref_slice %arg8[%dma_start3A_525] : memref<5x!tpu.dma_semaphore, #tpu.memory_space<semaphore_mem>> -> memref<1x!tpu.dma_semaphore, #tpu.memory_space<semaphore_mem>>
    %dma_start3A_533 = tpu.memref_squeeze %dma_start3A_532 : memref<1x!tpu.dma_semaphore, #tpu.memory_space<semaphore_mem>> -> memref<!tpu.dma_semaphore, #tpu.memory_space<semaphore_mem>>
    %dma_start3A_534 = arith.constant 0 : i32
    %dma_start3A_535 = tpu.memref_slice %arg4[%add3A_523, %dma_start3A_534] : memref<204800x128xf32, #tpu.memory_space<hbm>> -> memref<128x128xf32, #tpu.memory_space<hbm>>
    %dma_start3A_536 = arith.constant 0 : i32
    %dma_start3A_537 = arith.constant 0 : i32
    %dma_start3A_538 = tpu.memref_slice %arg6[%dma_start3A_524, %dma_start3A_536, %dma_start3A_537] : memref<5x128x128xf32, #tpu.memory_space<vmem>> -> memref<1x128x128xf32, #tpu.memory_space<vmem>>
    %dma_start3A_539 = tpu.memref_squeeze %dma_start3A_538 : memref<1x128x128xf32, #tpu.memory_space<vmem>> -> memref<128x128xf32, #tpu.memory_space<vmem>>
    tpu.enqueue_dma source(%dma_start3A_539 : memref<128x128xf32, #tpu.memory_space<vmem>>) target(%dma_start3A_535 : memref<128x128xf32, #tpu.memory_space<hbm>>) target_semaphore(%dma_start3A_533 : memref<!tpu.dma_semaphore, #tpu.memory_space<semaphore_mem>>)
    %dma_wait3A_540 = arith.constant 4 : i32
    %dma_wait3A_541 = arith.constant 4 : i32
    %dma_wait3A_542 = arith.constant 0 : i32
    %dma_wait3A_543 = arith.constant 0 : i32
    %dma_wait3A_544 = tpu.memref_slice %arg6[%dma_wait3A_540, %dma_wait3A_542, %dma_wait3A_543] : memref<5x128x128xf32, #tpu.memory_space<vmem>> -> memref<1x128x128xf32, #tpu.memory_space<vmem>>
    %dma_wait3A_545 = tpu.memref_squeeze %dma_wait3A_544 : memref<1x128x128xf32, #tpu.memory_space<vmem>> -> memref<128x128xf32, #tpu.memory_space<vmem>>
    %dma_wait3A_546 = arith.constant 0 : i32
    %dma_wait3A_547 = arith.constant 0 : i32
    %dma_wait3A_548 = tpu.memref_slice %arg3[%dma_wait3A_546, %dma_wait3A_547] : memref<100000x128xf32, #tpu.memory_space<hbm>> -> memref<128x128xf32, #tpu.memory_space<hbm>>
    %dma_wait3A_549 = tpu.memref_slice %arg7[%dma_wait3A_541] : memref<5x!tpu.dma_semaphore, #tpu.memory_space<semaphore_mem>> -> memref<1x!tpu.dma_semaphore, #tpu.memory_space<semaphore_mem>>
    %dma_wait3A_550 = tpu.memref_squeeze %dma_wait3A_549 : memref<1x!tpu.dma_semaphore, #tpu.memory_space<semaphore_mem>> -> memref<!tpu.dma_semaphore, #tpu.memory_space<semaphore_mem>>
    %dma_wait3A_551 = arith.constant 0 : i32
    %dma_wait3A_552 = arith.constant 0 : i32
    %dma_wait3A_553 = tpu.memref_slice %arg6[%dma_wait3A_540, %dma_wait3A_551, %dma_wait3A_552] : memref<5x128x128xf32, #tpu.memory_space<vmem>> -> memref<1x128x128xf32, #tpu.memory_space<vmem>>
    %dma_wait3A_554 = tpu.memref_squeeze %dma_wait3A_553 : memref<1x128x128xf32, #tpu.memory_space<vmem>> -> memref<128x128xf32, #tpu.memory_space<vmem>>
    %dma_wait3A_555 = arith.constant 0 : i32
    %dma_wait3A_556 = arith.constant 0 : i32
    %dma_wait3A_557 = tpu.memref_slice %arg3[%dma_wait3A_555, %dma_wait3A_556] : memref<100000x128xf32, #tpu.memory_space<hbm>> -> memref<128x128xf32, #tpu.memory_space<hbm>>
    tpu.wait_dma2 semaphore(%dma_wait3A_550 : memref<!tpu.dma_semaphore, #tpu.memory_space<semaphore_mem>>) src(%dma_wait3A_557 : memref<128x128xf32, #tpu.memory_space<hbm>>) dst(%dma_wait3A_554 : memref<128x128xf32, #tpu.memory_space<vmem>>)
    %add3A_558 = arith.constant 6272 : i32
    %add3A_559 = arith.addi %mul3A_2, %add3A_558 : i32
    %dma_start3A_560 = arith.constant 4 : i32
    %dma_start3A_561 = arith.constant 4 : i32
    %dma_start3A_562 = arith.constant 0 : i32
    %dma_start3A_563 = arith.constant 0 : i32
    %dma_start3A_564 = tpu.memref_slice %arg6[%dma_start3A_560, %dma_start3A_562, %dma_start3A_563] : memref<5x128x128xf32, #tpu.memory_space<vmem>> -> memref<1x128x128xf32, #tpu.memory_space<vmem>>
    %dma_start3A_565 = tpu.memref_squeeze %dma_start3A_564 : memref<1x128x128xf32, #tpu.memory_space<vmem>> -> memref<128x128xf32, #tpu.memory_space<vmem>>
    %dma_start3A_566 = arith.constant 0 : i32
    %dma_start3A_567 = tpu.memref_slice %arg4[%add3A_559, %dma_start3A_566] : memref<204800x128xf32, #tpu.memory_space<hbm>> -> memref<128x128xf32, #tpu.memory_space<hbm>>
    %dma_start3A_568 = tpu.memref_slice %arg8[%dma_start3A_561] : memref<5x!tpu.dma_semaphore, #tpu.memory_space<semaphore_mem>> -> memref<1x!tpu.dma_semaphore, #tpu.memory_space<semaphore_mem>>
    %dma_start3A_569 = tpu.memref_squeeze %dma_start3A_568 : memref<1x!tpu.dma_semaphore, #tpu.memory_space<semaphore_mem>> -> memref<!tpu.dma_semaphore, #tpu.memory_space<semaphore_mem>>
    %dma_start3A_570 = arith.constant 0 : i32
    %dma_start3A_571 = tpu.memref_slice %arg4[%add3A_559, %dma_start3A_570] : memref<204800x128xf32, #tpu.memory_space<hbm>> -> memref<128x128xf32, #tpu.memory_space<hbm>>
    %dma_start3A_572 = arith.constant 0 : i32
    %dma_start3A_573 = arith.constant 0 : i32
    %dma_start3A_574 = tpu.memref_slice %arg6[%dma_start3A_560, %dma_start3A_572, %dma_start3A_573] : memref<5x128x128xf32, #tpu.memory_space<vmem>> -> memref<1x128x128xf32, #tpu.memory_space<vmem>>
    %dma_start3A_575 = tpu.memref_squeeze %dma_start3A_574 : memref<1x128x128xf32, #tpu.memory_space<vmem>> -> memref<128x128xf32, #tpu.memory_space<vmem>>
    tpu.enqueue_dma source(%dma_start3A_575 : memref<128x128xf32, #tpu.memory_space<vmem>>) target(%dma_start3A_571 : memref<128x128xf32, #tpu.memory_space<hbm>>) target_semaphore(%dma_start3A_569 : memref<!tpu.dma_semaphore, #tpu.memory_space<semaphore_mem>>)
    %dma_wait3A_576 = arith.constant 0 : i32
    %dma_wait3A_577 = arith.constant 0 : i32
    %dma_wait3A_578 = arith.constant 0 : i32
    %dma_wait3A_579 = arith.constant 0 : i32
    %dma_wait3A_580 = tpu.memref_slice %arg6[%dma_wait3A_576, %dma_wait3A_578, %dma_wait3A_579] : memref<5x128x128xf32, #tpu.memory_space<vmem>> -> memref<1x128x128xf32, #tpu.memory_space<vmem>>
    %dma_wait3A_581 = tpu.memref_squeeze %dma_wait3A_580 : memref<1x128x128xf32, #tpu.memory_space<vmem>> -> memref<128x128xf32, #tpu.memory_space<vmem>>
    %dma_wait3A_582 = arith.constant 0 : i32
    %dma_wait3A_583 = tpu.memref_slice %arg4[%mul3A_2, %dma_wait3A_582] : memref<204800x128xf32, #tpu.memory_space<hbm>> -> memref<128x128xf32, #tpu.memory_space<hbm>>
    %dma_wait3A_584 = tpu.memref_slice %arg8[%dma_wait3A_577] : memref<5x!tpu.dma_semaphore, #tpu.memory_space<semaphore_mem>> -> memref<1x!tpu.dma_semaphore, #tpu.memory_space<semaphore_mem>>
    %dma_wait3A_585 = tpu.memref_squeeze %dma_wait3A_584 : memref<1x!tpu.dma_semaphore, #tpu.memory_space<semaphore_mem>> -> memref<!tpu.dma_semaphore, #tpu.memory_space<semaphore_mem>>
    %dma_wait3A_586 = arith.constant 0 : i32
    %dma_wait3A_587 = tpu.memref_slice %arg4[%mul3A_2, %dma_wait3A_586] : memref<204800x128xf32, #tpu.memory_space<hbm>> -> memref<128x128xf32, #tpu.memory_space<hbm>>
    %dma_wait3A_588 = arith.constant 0 : i32
    %dma_wait3A_589 = arith.constant 0 : i32
    %dma_wait3A_590 = tpu.memref_slice %arg6[%dma_wait3A_576, %dma_wait3A_588, %dma_wait3A_589] : memref<5x128x128xf32, #tpu.memory_space<vmem>> -> memref<1x128x128xf32, #tpu.memory_space<vmem>>
    %dma_wait3A_591 = tpu.memref_squeeze %dma_wait3A_590 : memref<1x128x128xf32, #tpu.memory_space<vmem>> -> memref<128x128xf32, #tpu.memory_space<vmem>>
    tpu.wait_dma2 semaphore(%dma_wait3A_585 : memref<!tpu.dma_semaphore, #tpu.memory_space<semaphore_mem>>) src(%dma_wait3A_591 : memref<128x128xf32, #tpu.memory_space<vmem>>) dst(%dma_wait3A_587 : memref<128x128xf32, #tpu.memory_space<hbm>>)
    %dma_wait3A_592 = arith.constant 1 : i32
    %dma_wait3A_593 = arith.constant 1 : i32
    %dma_wait3A_594 = arith.constant 0 : i32
    %dma_wait3A_595 = arith.constant 0 : i32
    %dma_wait3A_596 = tpu.memref_slice %arg6[%dma_wait3A_592, %dma_wait3A_594, %dma_wait3A_595] : memref<5x128x128xf32, #tpu.memory_space<vmem>> -> memref<1x128x128xf32, #tpu.memory_space<vmem>>
    %dma_wait3A_597 = tpu.memref_squeeze %dma_wait3A_596 : memref<1x128x128xf32, #tpu.memory_space<vmem>> -> memref<128x128xf32, #tpu.memory_space<vmem>>
    %dma_wait3A_598 = arith.constant 0 : i32
    %dma_wait3A_599 = tpu.memref_slice %arg4[%mul3A_2, %dma_wait3A_598] : memref<204800x128xf32, #tpu.memory_space<hbm>> -> memref<128x128xf32, #tpu.memory_space<hbm>>
    %dma_wait3A_600 = tpu.memref_slice %arg8[%dma_wait3A_593] : memref<5x!tpu.dma_semaphore, #tpu.memory_space<semaphore_mem>> -> memref<1x!tpu.dma_semaphore, #tpu.memory_space<semaphore_mem>>
    %dma_wait3A_601 = tpu.memref_squeeze %dma_wait3A_600 : memref<1x!tpu.dma_semaphore, #tpu.memory_space<semaphore_mem>> -> memref<!tpu.dma_semaphore, #tpu.memory_space<semaphore_mem>>
    %dma_wait3A_602 = arith.constant 0 : i32
    %dma_wait3A_603 = tpu.memref_slice %arg4[%mul3A_2, %dma_wait3A_602] : memref<204800x128xf32, #tpu.memory_space<hbm>> -> memref<128x128xf32, #tpu.memory_space<hbm>>
    %dma_wait3A_604 = arith.constant 0 : i32
    %dma_wait3A_605 = arith.constant 0 : i32
    %dma_wait3A_606 = tpu.memref_slice %arg6[%dma_wait3A_592, %dma_wait3A_604, %dma_wait3A_605] : memref<5x128x128xf32, #tpu.memory_space<vmem>> -> memref<1x128x128xf32, #tpu.memory_space<vmem>>
    %dma_wait3A_607 = tpu.memref_squeeze %dma_wait3A_606 : memref<1x128x128xf32, #tpu.memory_space<vmem>> -> memref<128x128xf32, #tpu.memory_space<vmem>>
    tpu.wait_dma2 semaphore(%dma_wait3A_601 : memref<!tpu.dma_semaphore, #tpu.memory_space<semaphore_mem>>) src(%dma_wait3A_607 : memref<128x128xf32, #tpu.memory_space<vmem>>) dst(%dma_wait3A_603 : memref<128x128xf32, #tpu.memory_space<hbm>>)
    %dma_wait3A_608 = arith.constant 2 : i32
    %dma_wait3A_609 = arith.constant 2 : i32
    %dma_wait3A_610 = arith.constant 0 : i32
    %dma_wait3A_611 = arith.constant 0 : i32
    %dma_wait3A_612 = tpu.memref_slice %arg6[%dma_wait3A_608, %dma_wait3A_610, %dma_wait3A_611] : memref<5x128x128xf32, #tpu.memory_space<vmem>> -> memref<1x128x128xf32, #tpu.memory_space<vmem>>
    %dma_wait3A_613 = tpu.memref_squeeze %dma_wait3A_612 : memref<1x128x128xf32, #tpu.memory_space<vmem>> -> memref<128x128xf32, #tpu.memory_space<vmem>>
    %dma_wait3A_614 = arith.constant 0 : i32
    %dma_wait3A_615 = tpu.memref_slice %arg4[%mul3A_2, %dma_wait3A_614] : memref<204800x128xf32, #tpu.memory_space<hbm>> -> memref<128x128xf32, #tpu.memory_space<hbm>>
    %dma_wait3A_616 = tpu.memref_slice %arg8[%dma_wait3A_609] : memref<5x!tpu.dma_semaphore, #tpu.memory_space<semaphore_mem>> -> memref<1x!tpu.dma_semaphore, #tpu.memory_space<semaphore_mem>>
    %dma_wait3A_617 = tpu.memref_squeeze %dma_wait3A_616 : memref<1x!tpu.dma_semaphore, #tpu.memory_space<semaphore_mem>> -> memref<!tpu.dma_semaphore, #tpu.memory_space<semaphore_mem>>
    %dma_wait3A_618 = arith.constant 0 : i32
    %dma_wait3A_619 = tpu.memref_slice %arg4[%mul3A_2, %dma_wait3A_618] : memref<204800x128xf32, #tpu.memory_space<hbm>> -> memref<128x128xf32, #tpu.memory_space<hbm>>
    %dma_wait3A_620 = arith.constant 0 : i32
    %dma_wait3A_621 = arith.constant 0 : i32
    %dma_wait3A_622 = tpu.memref_slice %arg6[%dma_wait3A_608, %dma_wait3A_620, %dma_wait3A_621] : memref<5x128x128xf32, #tpu.memory_space<vmem>> -> memref<1x128x128xf32, #tpu.memory_space<vmem>>
    %dma_wait3A_623 = tpu.memref_squeeze %dma_wait3A_622 : memref<1x128x128xf32, #tpu.memory_space<vmem>> -> memref<128x128xf32, #tpu.memory_space<vmem>>
    tpu.wait_dma2 semaphore(%dma_wait3A_617 : memref<!tpu.dma_semaphore, #tpu.memory_space<semaphore_mem>>) src(%dma_wait3A_623 : memref<128x128xf32, #tpu.memory_space<vmem>>) dst(%dma_wait3A_619 : memref<128x128xf32, #tpu.memory_space<hbm>>)
    %dma_wait3A_624 = arith.constant 3 : i32
    %dma_wait3A_625 = arith.constant 3 : i32
    %dma_wait3A_626 = arith.constant 0 : i32
    %dma_wait3A_627 = arith.constant 0 : i32
    %dma_wait3A_628 = tpu.memref_slice %arg6[%dma_wait3A_624, %dma_wait3A_626, %dma_wait3A_627] : memref<5x128x128xf32, #tpu.memory_space<vmem>> -> memref<1x128x128xf32, #tpu.memory_space<vmem>>
    %dma_wait3A_629 = tpu.memref_squeeze %dma_wait3A_628 : memref<1x128x128xf32, #tpu.memory_space<vmem>> -> memref<128x128xf32, #tpu.memory_space<vmem>>
    %dma_wait3A_630 = arith.constant 0 : i32
    %dma_wait3A_631 = tpu.memref_slice %arg4[%mul3A_2, %dma_wait3A_630] : memref<204800x128xf32, #tpu.memory_space<hbm>> -> memref<128x128xf32, #tpu.memory_space<hbm>>
    %dma_wait3A_632 = tpu.memref_slice %arg8[%dma_wait3A_625] : memref<5x!tpu.dma_semaphore, #tpu.memory_space<semaphore_mem>> -> memref<1x!tpu.dma_semaphore, #tpu.memory_space<semaphore_mem>>
    %dma_wait3A_633 = tpu.memref_squeeze %dma_wait3A_632 : memref<1x!tpu.dma_semaphore, #tpu.memory_space<semaphore_mem>> -> memref<!tpu.dma_semaphore, #tpu.memory_space<semaphore_mem>>
    %dma_wait3A_634 = arith.constant 0 : i32
    %dma_wait3A_635 = tpu.memref_slice %arg4[%mul3A_2, %dma_wait3A_634] : memref<204800x128xf32, #tpu.memory_space<hbm>> -> memref<128x128xf32, #tpu.memory_space<hbm>>
    %dma_wait3A_636 = arith.constant 0 : i32
    %dma_wait3A_637 = arith.constant 0 : i32
    %dma_wait3A_638 = tpu.memref_slice %arg6[%dma_wait3A_624, %dma_wait3A_636, %dma_wait3A_637] : memref<5x128x128xf32, #tpu.memory_space<vmem>> -> memref<1x128x128xf32, #tpu.memory_space<vmem>>
    %dma_wait3A_639 = tpu.memref_squeeze %dma_wait3A_638 : memref<1x128x128xf32, #tpu.memory_space<vmem>> -> memref<128x128xf32, #tpu.memory_space<vmem>>
    tpu.wait_dma2 semaphore(%dma_wait3A_633 : memref<!tpu.dma_semaphore, #tpu.memory_space<semaphore_mem>>) src(%dma_wait3A_639 : memref<128x128xf32, #tpu.memory_space<vmem>>) dst(%dma_wait3A_635 : memref<128x128xf32, #tpu.memory_space<hbm>>)
    %dma_wait3A_640 = arith.constant 4 : i32
    %dma_wait3A_641 = arith.constant 4 : i32
    %dma_wait3A_642 = arith.constant 0 : i32
    %dma_wait3A_643 = arith.constant 0 : i32
    %dma_wait3A_644 = tpu.memref_slice %arg6[%dma_wait3A_640, %dma_wait3A_642, %dma_wait3A_643] : memref<5x128x128xf32, #tpu.memory_space<vmem>> -> memref<1x128x128xf32, #tpu.memory_space<vmem>>
    %dma_wait3A_645 = tpu.memref_squeeze %dma_wait3A_644 : memref<1x128x128xf32, #tpu.memory_space<vmem>> -> memref<128x128xf32, #tpu.memory_space<vmem>>
    %dma_wait3A_646 = arith.constant 0 : i32
    %dma_wait3A_647 = tpu.memref_slice %arg4[%mul3A_2, %dma_wait3A_646] : memref<204800x128xf32, #tpu.memory_space<hbm>> -> memref<128x128xf32, #tpu.memory_space<hbm>>
    %dma_wait3A_648 = tpu.memref_slice %arg8[%dma_wait3A_641] : memref<5x!tpu.dma_semaphore, #tpu.memory_space<semaphore_mem>> -> memref<1x!tpu.dma_semaphore, #tpu.memory_space<semaphore_mem>>
    %dma_wait3A_649 = tpu.memref_squeeze %dma_wait3A_648 : memref<1x!tpu.dma_semaphore, #tpu.memory_space<semaphore_mem>> -> memref<!tpu.dma_semaphore, #tpu.memory_space<semaphore_mem>>
    %dma_wait3A_650 = arith.constant 0 : i32
    %dma_wait3A_651 = tpu.memref_slice %arg4[%mul3A_2, %dma_wait3A_650] : memref<204800x128xf32, #tpu.memory_space<hbm>> -> memref<128x128xf32, #tpu.memory_space<hbm>>
    %dma_wait3A_652 = arith.constant 0 : i32
    %dma_wait3A_653 = arith.constant 0 : i32
    %dma_wait3A_654 = tpu.memref_slice %arg6[%dma_wait3A_640, %dma_wait3A_652, %dma_wait3A_653] : memref<5x128x128xf32, #tpu.memory_space<vmem>> -> memref<1x128x128xf32, #tpu.memory_space<vmem>>
    %dma_wait3A_655 = tpu.memref_squeeze %dma_wait3A_654 : memref<1x128x128xf32, #tpu.memory_space<vmem>> -> memref<128x128xf32, #tpu.memory_space<vmem>>
    tpu.wait_dma2 semaphore(%dma_wait3A_649 : memref<!tpu.dma_semaphore, #tpu.memory_space<semaphore_mem>>) src(%dma_wait3A_655 : memref<128x128xf32, #tpu.memory_space<vmem>>) dst(%dma_wait3A_651 : memref<128x128xf32, #tpu.memory_space<hbm>>)
    return
  }
}

</mosaic_0001>

<sc_bundles>
// kernel: kernel.3.cloned.1.call-start
scs
__scs_entry_jumppad:
0x0: {  	(pc) =	sbr.rel $0x88, $3  }
0x1: {  	(tag) =	ssettag $0x0;
	lr =	simm.s32 $0x1  }
0x2: {  	[smem:$0x3F9F] =	sst lr;
	_ =	strace $0xD0000000  }
0x3: {  	_ = 	snop  }
0x4: {  	_ = 	snop  }
0x5: {  	_ = 	snop  }
0x6: {  	_ = 	snop  }
0x7: {  	_ = 	snop  }
__scs_overlays_trampoline_lowered:
0x8: {  	[smem:$0x3FAE] =	sst s0  }
0x9: {  	[smem:$0x3FAF] =	sst s1  }
0xa: {  	[smem:$0x3FB0] =	sst s2  }
0xb: {  	[smem:$0x3FB1] =	sst s3  }
0xc: {  	[smem:$0x3FB2] =	sst s4  }
0xd: {  	[smem:$0x3FB3] =	sst s5  }
0xe: {  	[smem:$0x3FB4] =	sst s6  }
0xf: {  	[smem:$0x3FB5] =	sst s7  }
0x10: {  	[smem:$0x3FB6] =	sst s8  }
0x11: {  	[smem:$0x3FB7] =	sst s9;
	s0 =	simm.s32 @!p0 $0x0  }
0x12: {  	s1 =	sld [smem:$0x3F9D];
	s0 =	simm.s32 @p0 $0x1  }
0x13: {  	[smem:$0x3FB8] =	sst s0;
	s0 =	simm.s32 @!p1 $0x0  }
0x14: {  	s2 =	sld [smem:$0x3F9C];
	s0 =	simm.s32 @p1 $0x1  }
0x15: {  	[smem:$0x3FB9] =	sst s0;
	s0 =	simm.s32 @!p2 $0x0  }
0x16: {  	s3 =	sld [smem:$0x3FDB];
	s0 =	simm.s32 @p2 $0x1  }
0x17: {  	s4 =	simm.s32 $0x1BF5;
	[smem:$0x3FBB] =	sst s0  }
0x18: {  	s0 =	sld [smem:$0x3F9E];
	_ =	swait.ge [sflag:s4], $0x0  }
0x19: {  	s7 =	sld [smem:$0x3F9F]  }
0x1a: {  	s8 =	sadd.s32 $0xFFFFE003, lr  }
0x1b: {  	s9 =	sadd.s32 $0xFFFFFEF7, lr;
	s5 =	simm.s32 $0xFFFFFFFF;
	p2 =	slt.u32 s8, $0xFFFFF086  }
0x1c: {  	p1 =	slt.u32 s9, $0xF7A;
	s5 =	simm.s32 @!p2 $0x0  }
0x1d: {  	s5 =	simm.s32 @p1 $0x1;
	p0 =	seq.s32 s7, s2  }
0x1e: {  	s7 =	smul.u32 @!p0 $0xF7A, s2;
	p2 =	seq.s32 @!p0 s5, $0x0  }
0x1f: {  	s9 =	smul.u32 $0xF7A, s1;
	s8 =	simm.s32 @!p0 $0x1BF5;
	p2 =	por !p2, p0  }
0x20: {  	[sflag:s8] =	ssyncset.s32 @!p0 $0xFFFFF086;
	s6 =	sadd.s32 @!p0 s3, s7;
	s7 =	simm.s32 @!p0 $0x108  }
0x21: {  	s3 =	sadd.s32 s3, s9;
	s6 =	sadd.s32 @!p0 $0x88, s6;
	s7 =	simm.s32 @p2 $0x1082  }
0x22: {  	[simem:s7], [sflag:s8] =	dma.local @!p0 [hbm:s6], $0xF7A  }
0x23: {  	s9 =	sor.u32 $0xD0000000, s2;
	s6 =	simm.s32 $0x108;
	_ =	swait.ge @!p0 [sflag:s8], $0x0  }
0x24: {  	s3 =	sadd.s32 $0x88, s3;
	s6 =	simm.s32 @!p1 $0x1082;
	[sflag:s4] =	ssyncset.s32 $0xFFFFF086  }
0x25: {  	[simem:s6], [sflag:s4] =	dma.local [hbm:s3], $0xF7A  }
0x26: {  	[smem:$0x3F9F] =	sst s1;
	(tag) =	ssettag s2;
	_ =	strace s9  }
0x27: {  	s1 =	sld [smem:$0x3FAF]  }
0x28: {  	s2 =	sld [smem:$0x3FB0]  }
0x29: {  	s4 =	sld [smem:$0x3FB2]  }
0x2a: {  	p0 =	seq.s32 s5, $0x0;
	s5 =	sld [smem:$0x3FB3]  }
0x2b: {  	s6 =	sld [smem:$0x3FB4]  }
0x2c: {  	s7 =	sld [smem:$0x3FB5]  }
0x2d: {  	s3 =	simm.s32 $0x108;
	s8 =	sld [smem:$0x3FB6]  }
0x2e: {  	s3 =	simm.s32 @!p0 $0x1082;
	s9 =	sld [smem:$0x3FB7]  }
0x2f: {  	lr =	sadd.s32 s0, s3;
	s0 =	sld [smem:$0x3FAE]  }
0x30: {  	s3 =	sld [smem:$0x3FB1]  }
0x31: {  	[smem:$0x3FBA] =	sst s10  }
0x32: {  	s10 =	sld [smem:$0x3FB8];
	_ =	sdelay $0x3  }
0x33: {  	p0 =	seq.s32 s10, $0x1;
	s10 =	sld [smem:$0x3FBA];
	_ =	sdelay $0x3  }
0x34: {  	[smem:$0x3FBA] =	sst s10  }
0x35: {  	s10 =	sld [smem:$0x3FB9];
	_ =	sdelay $0x3  }
0x36: {  	p1 =	seq.s32 s10, $0x1;
	s10 =	sld [smem:$0x3FBA];
	_ =	sdelay $0x3  }
0x37: {  	[smem:$0x3FBA] =	sst s10  }
0x38: {  	s10 =	sld [smem:$0x3FBB]  }
0x39: {  	_ = 	snop;
	(pc) =	sbr.ind lr, $3  }
0x3a: {  	_ = 	snop  }
0x3b: {  	_ = 	snop  }
0x3c: {  	p2 =	seq.s32 s10, $0x1;
	s10 =	sld [smem:$0x3FBA]  }
0x3d: {  	_ =	shalt  }
0x3e: {  	_ =	shalt  }
0x3f: {  	_ =	shalt  }
0x40: {  	_ =	shalt  }
0x41: {  	_ =	shalt  }
0x42: {  	_ =	shalt  }
0x43: {  	_ =	shalt  }
0x44: {  	_ =	shalt  }
0x45: {  	_ =	shalt  }
0x46: {  	_ =	shalt  }
0x47: {  	_ =	shalt  }
0x48: {  	_ =	shalt  }
0x49: {  	_ =	shalt  }
0x4a: {  	_ =	shalt  }
0x4b: {  	_ =	shalt  }
0x4c: {  	_ =	shalt  }
0x4d: {  	_ =	shalt  }
0x4e: {  	_ =	shalt  }
0x4f: {  	_ =	shalt  }
0x50: {  	_ =	shalt  }
0x51: {  	_ =	shalt  }
0x52: {  	_ =	shalt  }
0x53: {  	_ =	shalt  }
0x54: {  	_ =	shalt  }
0x55: {  	_ =	shalt  }
0x56: {  	_ =	shalt  }
0x57: {  	_ =	shalt  }
0x58: {  	_ =	shalt  }
0x59: {  	_ =	shalt  }
0x5a: {  	_ =	shalt  }
0x5b: {  	_ =	shalt  }
0x5c: {  	_ =	shalt  }
0x5d: {  	_ =	shalt  }
0x5e: {  	_ =	shalt  }
0x5f: {  	_ =	shalt  }
0x60: {  	_ =	shalt  }
0x61: {  	_ =	shalt  }
0x62: {  	_ =	shalt  }
0x63: {  	_ =	shalt  }
0x64: {  	_ =	shalt  }
0x65: {  	_ =	shalt  }
0x66: {  	_ =	shalt  }
0x67: {  	_ =	shalt  }
0x68: {  	_ =	shalt  }
0x69: {  	_ =	shalt  }
0x6a: {  	_ =	shalt  }
0x6b: {  	_ =	shalt  }
0x6c: {  	_ =	shalt  }
0x6d: {  	_ =	shalt  }
0x6e: {  	_ =	shalt  }
0x6f: {  	_ =	shalt  }
0x70: {  	_ =	shalt  }
0x71: {  	_ =	shalt  }
0x72: {  	_ =	shalt  }
0x73: {  	_ =	shalt  }
0x74: {  	_ =	shalt  }
0x75: {  	_ =	shalt  }
0x76: {  	_ =	shalt  }
0x77: {  	_ =	shalt  }
0x78: {  	_ =	shalt  }
0x79: {  	_ =	shalt  }
0x7a: {  	_ =	shalt  }
0x7b: {  	_ =	shalt  }
0x7c: {  	_ =	shalt  }
0x7d: {  	_ =	shalt  }
0x7e: {  	_ =	shalt  }
0x7f: {  	_ =	shalt  }
0x80: {  	_ =	shalt  }
0x81: {  	_ =	shalt  }
0x82: {  	_ =	shalt  }
0x83: {  	_ =	shalt  }
0x84: {  	_ =	shalt  }
0x85: {  	_ =	shalt  }
0x86: {  	_ =	shalt  }
0x87: {  	_ =	shalt  }
.Lfunc_end0:
.L_simem_size_0:
called_computation_lowered:
.L_overlay_start_0:
0x88: {  	s2 =	sld [smem:$0x3FD9]  }
0x89: {  	s3 =	sld [smem:$0x3FFE];
	_ =	sdelay $0x1  }
0x8a: {  	s1 =	srdreg.scid  }
0x8b: {  	s0 =	sand.u32 $0x1, s1  }
0x8c: {  	s17 =	sshll.u32 s0, $0xA;
	s2 =	sadd.s32 s3, s2  }
0x8d: {  	s2 =	sadd.s32 s2, s17  }
0x8e: {  	[smem:$0x3FC6] =	sst s2  }
0x8f: {  	_ = 	snop  }
0x90: {  	s2 =	sld [smem:$0x3FC8]  }
0x91: {  	s18 =	sld [smem:$0x3FD0];
	(tm) =	ssettm $0x1  }
0x92: {  	s4 =	sld [smem:$0x3FFB];
	_ =	sdelay $0x3  }
0x93: {  	_ =	strace s4  }
0x94: {  	s4 =	sld [smem:$0x3FFC];
	_ =	sdelay $0x3  }
0x95: {  	_ =	strace s4  }
0x96: {  	s4 =	sld [smem:$0x3FFD];
	_ =	sdelay $0x3  }
0x97: {  	_ =	strace s4  }
0x98: {  	_ =	strace $0x8FFFFFFF  }
0x99: {  	s19 =	sld [smem:$0x3FDB];
	_ =	sdelay $0x1  }
0x9a: {  	s5 =	simm.s32 $_scs_section_size  }
0x9b: {  	s6 =	simm.s32 $_size__tile_overlayer_lowered;
	s7 =	simm.s32 $_tile_overlayer_lowered  }
0x9c: {  	s22 =	simm.s32 $0x1BFF;
	s21 =	sshll.u32 s7, $0x1;
	s4 =	sadd.s32 s5, s19  }
0x9d: {  	s8 =	simm.s32 $0x0;
	s20 =	sshll.u32 s6, $0x1;
	s6 =	sadd.s32 s21, s4  }
0x9e: {  	[timem:s8], [sflag:s22] =	dma.local [hbm:s6], s20  }
0x9f: {  	_ =	swait.ge [sflag:s22], s20  }
0xa0: {  	s5 =	ssub.s32 $0x0, s20;
	[sflag:s22] =	ssyncset.done $0x0  }
0xa1: {  	[sflag:s22] =	ssyncadd.s32 s5;
	_ =	sdelay $0x1  }
0xa2: {  	s23 =	simm.s32 $0x1B8B  }
0xa3: {  	_ =	swait.ge [sflag:s23], $0x1  }
0xa4: {  	[sflag:s23] =	ssyncset.done $0x0  }
0xa5: {  	s25 =	simm.s32 $0x1B8E;
	s24 =	sld [smem:$0x3FFE];
	[sflag:s23] =	ssyncadd.s32 $0xFFFFFFFF  }
0xa6: {  	s26 =	simm.s32 $execute0_lowered;
	[smem:$0x3FD2] =	sst s25  }
0xa7: {  	s6 =	sshll.u32 s26, $0x1;
	_ =	strace $0x80000046;
	[dreg:$0x1] =	wrdreg $0xFFFFFFFF  }
0xa8: {  	s28 =	simm.s32 $_size_execute0_lowered;
	s4 =	sadd.s32 s4, s6;
	[dreg:$0x0] =	wrdreg $0x0  }
0xa9: {  	s6 =	sshll.u32 s28, $0x1;
	[dreg:$0x2] =	wrdreg s4  }
0xaa: {  	[dreg:$0x3] =	wrdreg s6  }
0xab: {  	[dreg:$0x4] =	wrdreg $0xC0  }
0xac: {  	_ =	task [dreg:s8], $0x5FFFF  }
0xad: {  	[dreg:$0x1] =	wrdreg $0xFFFFFFFF  }
0xae: {  	[dreg:$0x0] =	wrdreg $0x60  }
0xaf: {  	[dreg:$0x2] =	wrdreg s24  }
0xb0: {  	[dreg:$0x3] =	wrdreg s2  }
0xb1: {  	[dreg:$0x4] =	wrdreg s18  }
0xb2: {  	[dreg:$0x5] =	wrdreg $0x9  }
0xb3: {  	_ =	task.clear_ibuf [dreg:s8], $0x6FFFF;
	_ =	strace $0x90000046  }
0xb4: {  	s29 =	simm.s32 $0x9;
	_ =	strace $0x80000048  }
0xb5: {  	_ =	swait.ge [sflag:s29], $0x1  }
0xb6: {  	[sflag:s29] =	ssyncadd.s32 $0xFFFFFFFF  }
0xb7: {  	_ =	strace $0x90000048  }
0xb8: {  	_ =	sfence  }
0xb9: {  	s30 =	sld [smem:$0x0];
	_ =	sdelay $0x2  }
0xba: {  	s31 =	sshll.u32 s1, $0xD;
	s1 =	sshrl.u32 s1, $0x2  }
0xbb: {  	s3 =	sand.u32 $0x4000, s31;
	s1 =	sadd.s32 s1, s30  }
0xbc: {  	s0 =	sor.u32 s3, s0;
	s1 =	sshll.u32 s1, $0x11  }
0xbd: {  	s0 =	sor.u32 s1, s0  }
0xbe: {  	s0 =	sadd.s32 $0x8F2B, s0  }
0xbf: {  	[sflag:s0] =	ssyncadd.remote.s32 $0x1  }
0xc0: {  	_ =	sfence.sel $0xFFFF  }
0xc1: {  	[dreg:$0x0] =	wrdreg $0xFFFFFFFF;
	(pc) =	sbr.abs _section_cstart, $3  }
0xc2: {  	[dreg:$0x1] =	wrdreg $0xFFFFFFFF  }
0xc3: {  	_ =	task.clear_ibuf [dreg:s8], $0x2FFFF;
	_ =	strace $0x9FFFFFFF  }
0xc4: {  	(tm) =	ssettm $0x7FFFFFFF  }
0xc5: {  	_ =	shalt  }
tec
execute0_lowered:
.L_overlay_start_1:
0x0: {  	(tag) =	ssettag $0x1  }
0x1: {  	s0 =	rddreg [dreg:$0x0]  }
0x2: {  	s2 =	rddreg [dreg:$0x1];
	s1 =	srdreg.scid  }
0x3: {  	s9 =	stileid.u32;
	s5 =	rddreg [dreg:$0x2]  }
0x4: {  	s3 =	simm.s32 $0x0;
	s17 =	simm.s32 $0xB;
	s18 =	simm.s32 $0x80  }
0x5: {  	s19 =	simm.s32 $0x1900;
	s1 =	sand.u32 $0x1, s1;
	s4 =	sshll.u32 s9, $0x1  }
0x6: {  	s29 =	simm.s32 $0x11900;
	s25 =	smul.u32 $0x32000, s9;
	s4 =	sor.u32 s1, s4  }
0x7: {  	s30 =	simm.s32 $0x3;
	s31 =	simm.s32 $0x6;
	s6 =	smul.u32 $0x1900, s4  }
0x8: {  	s28 =	simm.s32 $0x5;
	[smem:$0x7FF] =	sst s3;
	s7 =	smul.u32 $0xC8000, s4  }
0x9: {  	_ =	strace $0x80000047;
	s8 =	ssub.s32 $0x2, s1;
	s4 =	smul.u32 $0x19000, s4  }
0xa: {  	s1 =	smul.u32 $0x19000, s1;
	s20 =	sshrl.u32 s8, $0x1;
	s6 =	sshrl.u32 s6, $0x3  }
0xb: {  	s7 =	sshrl.u32 s7, $0x3;
	s4 =	sadd.s32 s5, s4;
	s0 =	sadd.s32 s6, s0  }
0xc: {  	s6 =	ssub.s32 s8, s20;
	s7 =	sadd.s32 s5, s7;
	s21 =	sadd.s32 $0x800, s4  }
0xd: {  	s20 =	simm.s32 $0x5900;
	s0 =	sadd.s32 $0x400, s0;
	[dreg:$0x5] =	wrdreg s21  }
0xe: {  	s22 =	sadd.s32 $0x1000, s7;
	s23 =	sadd.s32 $0x1800, s7;
	s24 =	sadd.s32 $0x2000, s7  }
0xf: {  	s26 =	sadd.s32 $0x16800, s7;
	s11 =	sadd.s32 $0x17000, s7;
	[dreg:$0x4] =	wrdreg s0  }
0x10: {  	s12 =	sadd.s32 $0x17800, s7;
	s13 =	sadd.s32 $0x18000, s7;
	[dreg:$0x6] =	wrdreg s22  }
0x11: {  	s14 =	sadd.s32 $0x18800, s7;
	s15 =	smax.u32 s6, $0x1;
	[dreg:$0x7] =	wrdreg s23  }
0x12: {  	s21 =	simm.s32 $0x7;
	s6 =	simm.s32 $0x0;
	[dreg:$0x8] =	wrdreg s24  }
0x13: {  	[dreg:$0x9] =	wrdreg s26;
	s0 =	sadd.s32 s25, s5;
	s22 =	simm.s32 $0x9900  }
0x14: {  	s23 =	simm.s32 $0x1;
	s25 =	simm.s32 $0xD900;
	s26 =	simm.s32 $0x2  }
0x15: {  	s24 =	simm.s32 $0x9;
	s5 =	simm.s32 $0xA;
	s0 =	sadd.s32 s1, s0  }
0x16: {  	s1 =	simm.s32 $0x8;
	s16 =	sadd.s32 $0x4800, s0;
	s0 =	simm.s32 $0x4  }
.LBB2_1:
0x17: {  	s7 =	rddreg [dreg:$0x4]  }
0x18: {  	[tilespmem:s3], [sflag:$0xB] =	stream.linear.gather [hbm4b:s7+s3], $0x1900, $0x38;
	[tilespmem:$0x15900] =	vst v63  }
0x19: {  	_ =	swait.ge [sflag:s17], $0x1900  }
0x1a: {  	[sflag:s17] =	ssyncset.done $0x0  }
0x1b: {  	[sflag:s17] =	ssyncadd.s32 $0xFFFFE700  }
0x1c: {  	[tilespmem:s19], [sflag:$0x1] =	stream.indirect.gather [hbm4b:s2+s18], $0x80, s3, s18, $0xb8;
	[tilespmem:$0x15900] =	vst v63  }
0x1d: {  	_ = 	snop  }
0x1e: {  	[tilespmem:s20], [sflag:$0x2] =	stream.indirect.gather [hbm4b:s2+s18], $0x80, s18, s18, $0xb8;
	[tilespmem:$0x15900] =	vst v63  }
0x1f: {  	s8 =	simm.s32 $0x100  }
0x20: {  	[tilespmem:s22], [sflag:$0x3] =	stream.indirect.gather [hbm4b:s2+s18], $0x80, s8, s18, $0xb8;
	[tilespmem:$0x15900] =	vst v63  }
0x21: {  	_ =	swait.ge [sflag:s23], $0x4000  }
0x22: {  	[sflag:s23] =	ssyncset.done $0x0  }
0x23: {  	[sflag:s23] =	ssyncadd.s32 $0xFFFFC000  }
0x24: {  	[hbm4b:s4+s3] =	stream.linear.scatter [tilespmem:s19], [sflag:$0x6], $0x4000, $0x38;
	[tilespmem:$0x15900] =	vst v63  }
0x25: {  	s9 =	simm.s32 $0x180  }
0x26: {  	[tilespmem:s25], [sflag:$0x4] =	stream.indirect.gather [hbm4b:s2+s18], $0x80, s9, s18, $0xb8;
	[tilespmem:$0x15900] =	vst v63  }
0x27: {  	_ =	swait.ge [sflag:s26], $0x4000  }
0x28: {  	[sflag:s26] =	ssyncset.done $0x0  }
0x29: {  	s10 =	rddreg [dreg:$0x5];
	[sflag:s26] =	ssyncadd.s32 $0xFFFFC000  }
0x2a: {  	[hbm4b:s10+s3] =	stream.linear.scatter [tilespmem:s20], [sflag:$0x7], $0x4000, $0x38;
	[tilespmem:$0x15900] =	vst v63  }
0x2b: {  	s8 =	simm.s32 $0x200  }
0x2c: {  	[tilespmem:s29], [sflag:$0x5] =	stream.indirect.gather [hbm4b:s2+s18], $0x80, s8, s18, $0xb8;
	[tilespmem:$0x15900] =	vst v63  }
0x2d: {  	_ =	swait.ge [sflag:s30], $0x4000  }
0x2e: {  	[sflag:s30] =	ssyncset.done $0x0  }
0x2f: {  	s9 =	rddreg [dreg:$0x6];
	[sflag:s30] =	ssyncadd.s32 $0xFFFFC000  }
0x30: {  	[hbm4b:s9+s3] =	stream.linear.scatter [tilespmem:s22], [sflag:$0x8], $0x4000, $0x38;
	[tilespmem:$0x15900] =	vst v63  }
0x31: {  	_ =	swait.ge [sflag:s31], $0x4000  }
0x32: {  	[sflag:s31] =	ssyncset.done $0x0  }
0x33: {  	s10 =	simm.s32 $0x280;
	[sflag:s31] =	ssyncadd.s32 $0xFFFFC000  }
0x34: {  	[tilespmem:s19], [sflag:$0x1] =	stream.indirect.gather [hbm4b:s2+s18], $0x80, s10, s18, $0xb8;
	[tilespmem:$0x15900] =	vst v63  }
0x35: {  	_ =	swait.ge [sflag:s0], $0x4000  }
0x36: {  	[sflag:s0] =	ssyncset.done $0x0  }
0x37: {  	s8 =	rddreg [dreg:$0x7];
	[sflag:s0] =	ssyncadd.s32 $0xFFFFC000  }
0x38: {  	[hbm4b:s8+s3] =	stream.linear.scatter [tilespmem:s25], [sflag:$0x9], $0x4000, $0x38;
	[tilespmem:$0x15900] =	vst v63  }
0x39: {  	_ =	swait.ge [sflag:s21], $0x4000  }
0x3a: {  	[sflag:s21] =	ssyncset.done $0x0  }
0x3b: {  	s9 =	simm.s32 $0x300;
	[sflag:s21] =	ssyncadd.s32 $0xFFFFC000  }
0x3c: {  	[tilespmem:s20], [sflag:$0x2] =	stream.indirect.gather [hbm4b:s2+s18], $0x80, s9, s18, $0xb8;
	[tilespmem:$0x15900] =	vst v63  }
0x3d: {  	_ =	swait.ge [sflag:s28], $0x4000  }
0x3e: {  	[sflag:s28] =	ssyncset.done $0x0  }
0x3f: {  	s10 =	rddreg [dreg:$0x8];
	[sflag:s28] =	ssyncadd.s32 $0xFFFFC000  }
0x40: {  	[hbm4b:s10+s3] =	stream.linear.scatter [tilespmem:s29], [sflag:$0xA], $0x4000, $0x38;
	[tilespmem:$0x15900] =	vst v63  }
0x41: {  	_ =	swait.ge [sflag:s1], $0x4000  }
0x42: {  	[sflag:s1] =	ssyncset.done $0x0  }
0x43: {  	s8 =	simm.s32 $0x380;
	[sflag:s1] =	ssyncadd.s32 $0xFFFFC000  }
0x44: {  	[tilespmem:s22], [sflag:$0x3] =	stream.indirect.gather [hbm4b:s2+s18], $0x80, s8, s18, $0xb8;
	[tilespmem:$0x15900] =	vst v63  }
0x45: {  	_ =	swait.ge [sflag:s23], $0x4000  }
0x46: {  	[sflag:s23] =	ssyncset.done $0x0  }
0x47: {  	s9 =	sadd.s32 $0xFFFFE000, s16;
	[sflag:s23] =	ssyncadd.s32 $0xFFFFC000  }
0x48: {  	[hbm4b:s9+s3] =	stream.linear.scatter [tilespmem:s19], [sflag:$0x6], $0x4000, $0x38;
	[tilespmem:$0x15900] =	vst v63  }
0x49: {  	_ =	swait.ge [sflag:s24], $0x4000  }
0x4a: {  	[sflag:s24] =	ssyncset.done $0x0  }
0x4b: {  	s10 =	simm.s32 $0x400;
	[sflag:s24] =	ssyncadd.s32 $0xFFFFC000  }
0x4c: {  	[tilespmem:s25], [sflag:$0x4] =	stream.indirect.gather [hbm4b:s2+s18], $0x80, s10, s18, $0xb8;
	[tilespmem:$0x15900] =	vst v63  }
0x4d: {  	_ =	swait.ge [sflag:s26], $0x4000  }
0x4e: {  	[sflag:s26] =	ssyncset.done $0x0  }
0x4f: {  	s8 =	sadd.s32 $0xFFFFE800, s16;
	[sflag:s26] =	ssyncadd.s32 $0xFFFFC000  }
0x50: {  	[hbm4b:s8+s3] =	stream.linear.scatter [tilespmem:s20], [sflag:$0x7], $0x4000, $0x38;
	[tilespmem:$0x15900] =	vst v63  }
0x51: {  	_ =	swait.ge [sflag:s5], $0x4000  }
0x52: {  	[sflag:s5] =	ssyncset.done $0x0  }
0x53: {  	s9 =	simm.s32 $0x480;
	[sflag:s5] =	ssyncadd.s32 $0xFFFFC000  }
0x54: {  	[tilespmem:s29], [sflag:$0x5] =	stream.indirect.gather [hbm4b:s2+s18], $0x80, s9, s18, $0xb8;
	[tilespmem:$0x15900] =	vst v63  }
0x55: {  	_ =	swait.ge [sflag:s30], $0x4000  }
0x56: {  	[sflag:s30] =	ssyncset.done $0x0  }
0x57: {  	s10 =	sadd.s32 $0xFFFFF000, s16;
	[sflag:s30] =	ssyncadd.s32 $0xFFFFC000  }
0x58: {  	[hbm4b:s10+s3] =	stream.linear.scatter [tilespmem:s22], [sflag:$0x8], $0x4000, $0x38;
	[tilespmem:$0x15900] =	vst v63  }
0x59: {  	_ =	swait.ge [sflag:s31], $0x4000  }
0x5a: {  	[sflag:s31] =	ssyncset.done $0x0  }
0x5b: {  	s8 =	simm.s32 $0x500;
	[sflag:s31] =	ssyncadd.s32 $0xFFFFC000  }
0x5c: {  	[tilespmem:s19], [sflag:$0x1] =	stream.indirect.gather [hbm4b:s2+s18], $0x80, s8, s18, $0xb8;
	[tilespmem:$0x15900] =	vst v63  }
0x5d: {  	_ =	swait.ge [sflag:s0], $0x4000  }
0x5e: {  	[sflag:s0] =	ssyncset.done $0x0  }
0x5f: {  	s9 =	sadd.s32 $0xFFFFF800, s16;
	[sflag:s0] =	ssyncadd.s32 $0xFFFFC000  }
0x60: {  	[hbm4b:s9+s3] =	stream.linear.scatter [tilespmem:s25], [sflag:$0x9], $0x4000, $0x38;
	[tilespmem:$0x15900] =	vst v63  }
0x61: {  	_ =	swait.ge [sflag:s21], $0x4000  }
0x62: {  	[sflag:s21] =	ssyncset.done $0x0  }
0x63: {  	s10 =	simm.s32 $0x580;
	[sflag:s21] =	ssyncadd.s32 $0xFFFFC000  }
0x64: {  	[tilespmem:s20], [sflag:$0x2] =	stream.indirect.gather [hbm4b:s2+s18], $0x80, s10, s18, $0xb8;
	[tilespmem:$0x15900] =	vst v63  }
0x65: {  	_ =	swait.ge [sflag:s28], $0x4000  }
0x66: {  	[sflag:s28] =	ssyncset.done $0x0  }
0x67: {  	[sflag:s28] =	ssyncadd.s32 $0xFFFFC000  }
0x68: {  	[hbm4b:s16+s3] =	stream.linear.scatter [tilespmem:s29], [sflag:$0xA], $0x4000, $0x38;
	[tilespmem:$0x15900] =	vst v63  }
0x69: {  	_ =	swait.ge [sflag:s1], $0x4000  }
0x6a: {  	s7 =	simm.s32 $0xA00;
	[sflag:s1] =	ssyncset.done $0x0  }
0x6b: {  	s8 =	sadd.s32 $0x2800, s16;
	s9 =	simm.s32 $0x600;
	[sflag:s1] =	ssyncadd.s32 $0xFFFFC000  }
.LBB2_2:
0x6c: {  	[tilespmem:s22], [sflag:$0x3] =	stream.indirect.gather [hbm4b:s2+s18], $0x80, s9, s18, $0xb8;
	[tilespmem:$0x15900] =	vst v63  }
0x6d: {  	s9 =	smov.u32 s7  }
0x6e: {  	p0 =	sne.s32 s7, $0x4600;
	s7 =	sadd.s32 $0xA00, s7;
	_ =	swait.ge [sflag:s23], $0x4000  }
0x6f: {  	[sflag:s23] =	ssyncset.done $0x0  }
0x70: {  	s10 =	sadd.s32 $0xFFFFE000, s8;
	[sflag:s23] =	ssyncadd.s32 $0xFFFFC000  }
0x71: {  	[hbm4b:s10+s3] =	stream.linear.scatter [tilespmem:s19], [sflag:$0x6], $0x4000, $0x38;
	[tilespmem:$0x15900] =	vst v63  }
0x72: {  	_ =	swait.ge [sflag:s24], $0x4000  }
0x73: {  	s9 =	sshra.s32 s9, $0x2;
	[sflag:s24] =	ssyncset.done $0x0  }
0x74: {  	s10 =	sadd.s32 $0x400, s9;
	[sflag:s24] =	ssyncadd.s32 $0xFFFFC000  }
0x75: {  	[tilespmem:s25], [sflag:$0x4] =	stream.indirect.gather [hbm4b:s2+s18], $0x80, s10, s18, $0xb8;
	[tilespmem:$0x15900] =	vst v63  }
0x76: {  	_ =	swait.ge [sflag:s26], $0x4000  }
0x77: {  	[sflag:s26] =	ssyncset.done $0x0  }
0x78: {  	s10 =	sadd.s32 $0xFFFFE800, s8;
	[sflag:s26] =	ssyncadd.s32 $0xFFFFC000  }
0x79: {  	[hbm4b:s10+s3] =	stream.linear.scatter [tilespmem:s20], [sflag:$0x7], $0x4000, $0x38;
	[tilespmem:$0x15900] =	vst v63  }
0x7a: {  	_ =	swait.ge [sflag:s5], $0x4000  }
0x7b: {  	[sflag:s5] =	ssyncset.done $0x0  }
0x7c: {  	s10 =	sadd.s32 $0x480, s9;
	[sflag:s5] =	ssyncadd.s32 $0xFFFFC000  }
0x7d: {  	[tilespmem:s29], [sflag:$0x5] =	stream.indirect.gather [hbm4b:s2+s18], $0x80, s10, s18, $0xb8;
	[tilespmem:$0x15900] =	vst v63  }
0x7e: {  	_ =	swait.ge [sflag:s30], $0x4000  }
0x7f: {  	[sflag:s30] =	ssyncset.done $0x0  }
0x80: {  	s10 =	sadd.s32 $0xFFFFF000, s8;
	[sflag:s30] =	ssyncadd.s32 $0xFFFFC000  }
0x81: {  	[hbm4b:s10+s3] =	stream.linear.scatter [tilespmem:s22], [sflag:$0x8], $0x4000, $0x38;
	[tilespmem:$0x15900] =	vst v63  }
0x82: {  	_ =	swait.ge [sflag:s31], $0x4000  }
0x83: {  	[sflag:s31] =	ssyncset.done $0x0  }
0x84: {  	s10 =	sadd.s32 $0x500, s9;
	[sflag:s31] =	ssyncadd.s32 $0xFFFFC000  }
0x85: {  	[tilespmem:s19], [sflag:$0x1] =	stream.indirect.gather [hbm4b:s2+s18], $0x80, s10, s18, $0xb8;
	[tilespmem:$0x15900] =	vst v63  }
0x86: {  	_ =	swait.ge [sflag:s0], $0x4000  }
0x87: {  	[sflag:s0] =	ssyncset.done $0x0  }
0x88: {  	s10 =	sadd.s32 $0xFFFFF800, s8;
	[sflag:s0] =	ssyncadd.s32 $0xFFFFC000  }
0x89: {  	[hbm4b:s10+s3] =	stream.linear.scatter [tilespmem:s25], [sflag:$0x9], $0x4000, $0x38;
	[tilespmem:$0x15900] =	vst v63  }
0x8a: {  	_ =	swait.ge [sflag:s21], $0x4000  }
0x8b: {  	[sflag:s21] =	ssyncset.done $0x0  }
0x8c: {  	s10 =	sadd.s32 $0x580, s9;
	[sflag:s21] =	ssyncadd.s32 $0xFFFFC000  }
0x8d: {  	[tilespmem:s20], [sflag:$0x2] =	stream.indirect.gather [hbm4b:s2+s18], $0x80, s10, s18, $0xb8;
	[tilespmem:$0x15900] =	vst v63  }
0x8e: {  	_ =	swait.ge [sflag:s28], $0x4000  }
0x8f: {  	[sflag:s28] =	ssyncset.done $0x0  }
.Ltmp0:
0x90: {  	[sflag:s28] =	ssyncadd.s32 $0xFFFFC000;
	(pc) =	sbr.rel @p0 .LBB2_2-.Ltmp0, $4  }
0x91: {  	[hbm4b:s8+s3] =	stream.linear.scatter [tilespmem:s29], [sflag:$0xA], $0x4000, $0x38;
	[tilespmem:$0x15900] =	vst v63  }
0x92: {  	_ =	swait.ge [sflag:s1], $0x4000  }
0x93: {  	[sflag:s1] =	ssyncset.done $0x0  }
0x94: {  	s9 =	sadd.s32 $0x600, s9;
	s8 =	sadd.s32 $0x2800, s8;
	[sflag:s1] =	ssyncadd.s32 $0xFFFFC000  }
0x95: {  	[tilespmem:s22], [sflag:$0x3] =	stream.indirect.gather [hbm4b:s2+s18], $0x80, s9, s18, $0xb8;
	[tilespmem:$0x15900] =	vst v63  }
0x96: {  	_ =	swait.ge [sflag:s23], $0x4000  }
0x97: {  	[sflag:s23] =	ssyncset.done $0x0  }
0x98: {  	s7 =	rddreg [dreg:$0x9];
	[sflag:s23] =	ssyncadd.s32 $0xFFFFC000  }
0x99: {  	[hbm4b:s7+s3] =	stream.linear.scatter [tilespmem:s19], [sflag:$0x6], $0x4000, $0x38;
	[tilespmem:$0x15900] =	vst v63  }
0x9a: {  	_ =	swait.ge [sflag:s24], $0x4000  }
0x9b: {  	[sflag:s24] =	ssyncset.done $0x0  }
0x9c: {  	s9 =	simm.s32 $0x1800;
	[sflag:s24] =	ssyncadd.s32 $0xFFFFC000  }
0x9d: {  	[tilespmem:s25], [sflag:$0x4] =	stream.indirect.gather [hbm4b:s2+s18], $0x80, s9, s18, $0xb8;
	[tilespmem:$0x15900] =	vst v63  }
0x9e: {  	_ =	swait.ge [sflag:s26], $0x4000  }
0x9f: {  	[sflag:s26] =	ssyncset.done $0x0  }
0xa0: {  	[sflag:s26] =	ssyncadd.s32 $0xFFFFC000  }
0xa1: {  	[hbm4b:s11+s3] =	stream.linear.scatter [tilespmem:s20], [sflag:$0x7], $0x4000, $0x38;
	[tilespmem:$0x15900] =	vst v63  }
0xa2: {  	_ =	swait.ge [sflag:s5], $0x4000  }
0xa3: {  	[sflag:s5] =	ssyncset.done $0x0  }
0xa4: {  	s10 =	simm.s32 $0x1880;
	[sflag:s5] =	ssyncadd.s32 $0xFFFFC000  }
0xa5: {  	[tilespmem:s29], [sflag:$0x5] =	stream.indirect.gather [hbm4b:s2+s18], $0x80, s10, s18, $0xb8;
	[tilespmem:$0x15900] =	vst v63  }
0xa6: {  	_ =	swait.ge [sflag:s30], $0x4000  }
0xa7: {  	[sflag:s30] =	ssyncset.done $0x0  }
0xa8: {  	[sflag:s30] =	ssyncadd.s32 $0xFFFFC000  }
0xa9: {  	[hbm4b:s12+s3] =	stream.linear.scatter [tilespmem:s22], [sflag:$0x8], $0x4000, $0x38;
	[tilespmem:$0x15900] =	vst v63  }
0xaa: {  	_ =	swait.ge [sflag:s0], $0x4000  }
0xab: {  	[sflag:s0] =	ssyncset.done $0x0  }
0xac: {  	[sflag:s0] =	ssyncadd.s32 $0xFFFFC000  }
0xad: {  	[hbm4b:s13+s3] =	stream.linear.scatter [tilespmem:s25], [sflag:$0x9], $0x4000, $0x38;
	[tilespmem:$0x15900] =	vst v63  }
0xae: {  	_ =	swait.ge [sflag:s28], $0x4000  }
0xaf: {  	[sflag:s28] =	ssyncset.done $0x0  }
0xb0: {  	[sflag:s28] =	ssyncadd.s32 $0xFFFFC000  }
0xb1: {  	[hbm4b:s14+s3] =	stream.linear.scatter [tilespmem:s29], [sflag:$0xA], $0x4000, $0x38;
	[tilespmem:$0x15900] =	vst v63  }
0xb2: {  	_ =	swait.ge [sflag:s31], $0x4000  }
0xb3: {  	[sflag:s31] =	ssyncset.done $0x0  }
0xb4: {  	[sflag:s31] =	ssyncadd.s32 $0xFFFFC000  }
0xb5: {  	_ =	swait.ge [sflag:s21], $0x4000  }
0xb6: {  	[sflag:s21] =	ssyncset.done $0x0  }
0xb7: {  	[sflag:s21] =	ssyncadd.s32 $0xFFFFC000  }
0xb8: {  	_ =	swait.ge [sflag:s1], $0x4000  }
0xb9: {  	[sflag:s1] =	ssyncset.done $0x0  }
0xba: {  	s6 =	sadd.s32 $0x1, s6;
	[sflag:s1] =	ssyncadd.s32 $0xFFFFC000  }
0xbb: {  	p0 =	sne.s32 s6, s15;
	_ =	swait.ge [sflag:s24], $0x4000  }
.Ltmp1:
0xbc: {  	[sflag:s24] =	ssyncset.done $0x0;
	(pc) =	sbr.rel @p0 .LBB2_1-.Ltmp1, $4  }
0xbd: {  	[sflag:s24] =	ssyncadd.s32 $0xFFFFC000  }
0xbe: {  	_ =	swait.ge [sflag:s5], $0x4000  }
0xbf: {  	[sflag:s5] =	ssyncset.done $0x0  }
0xc0: {  	[sflag:s5] =	ssyncadd.s32 $0xFFFFC000  }
0xc1: {  	_ =	sfence.sel $0x180000  }
0xc2: {  	[bflag:$0x0] =	sbarrier.arrive $0xFFFF  }
0xc3: {  	_ =	strace $0x90000047  }
0xc4: {  	s0 =	stileid.u32;
	[bflag:$0x2] =	sbarrier.arrive $0xFFFF  }
0xc5: {  	p0 =	sne.s32 s0, $0x0;
	s0 =	rddreg [dreg:$0x3]  }
0xc6: {  	s0 =	sadd.s32 @!p0 $0x100000, s0  }
0xc7: {  	[sflag:s0] =	ssyncadd.tile.s32 @!p0 $0x1;
	_ =	shalt  }
.Lfunc_end2:
_tile_overlayer_lowered:
.L_overlay_start_2:
0xc8: {  	(tag) =	ssettag $0x2  }
0xc9: {  	s0 =	rddreg [dreg:$0x0];
	s2 =	stileid.u32  }
0xca: {  	s1 =	rddreg [dreg:$0x1];
	p0 =	sne.s32 s2, $0x0  }
0xcb: {  	s3 =	rddreg [dreg:$0x2];
	[bflag:$0x3] =	sbarrier.arrive $0xFFFF;
	s2 =	simm.s32 @!p0 $0x1C0B  }
0xcc: {  	[timem:s3], [sflag:s2] =	dma.local @!p0 [hbm:s0], s1  }
0xcd: {  	s0 =	simm.s32 @!p0 $0xB  }
0xce: {  	_ =	swait.ge @!p0 [sflag:s0], s1  }
0xcf: {  	s1 =	ssub.s32 @!p0 $0x0, s1;
	[sflag:s0] =	ssyncset.done @!p0 $0x0  }
0xd0: {  	[sflag:s0] =	ssyncadd.s32 @!p0 s1  }
0xd1: {  	[bflag:$0x3] =	sbarrier.arrive $0xFFFF  }
0xd2: {  	_ =	shalt  }

</sc_bundles>
